<compile_context>
chip_gen: v7x
topology: tpu7x:2x2x1
jax: 0.10.2.dev20260603
libtpu: 0.0.44.dev20260713+nightly
codegen_flags: <defaults>
</compile_context>

<pallas_src>
import functools
import math

import jax
import jax.numpy as jnp
from jax import lax
from jax.experimental import pallas as pl
from jax.experimental.pallas import tpu as pltpu
from jax.experimental.pallas import tpu_sc as plsc

N_EXP = 8
TOP_K = 1
CAPACITY_FACTOR = 1.0
MIN_CAPACITY = 4

BT = 1024
BTS = 256

ROWS_PER_WORKER = 128
CHUNK = 16


def _capacity(num_tokens: int) -> int:
    capacity = math.floor(TOP_K * CAPACITY_FACTOR * num_tokens / N_EXP)
    capacity += capacity % 2
    return int(max(capacity, MIN_CAPACITY))


def _router_body(capacity, x_ref, wg_ref, uc_ref, p_ref, counts_ref):
    i = pl.program_id(0)

    @pl.when(i == 0)
    def _init():
        counts_ref[...] = jnp.zeros_like(counts_ref)

    logits = jax.lax.dot_general(
        wg_ref[...], x_ref[...],
        dimension_numbers=(((1,), (1,)), ((), ())),
        preferred_element_type=jnp.float32,
    )

    m = jnp.max(logits, axis=0, keepdims=True)
    eidx = jax.lax.broadcasted_iota(jnp.int32, (N_EXP, BT), 0)
    e = jnp.min(jnp.where(logits >= m, eidx, N_EXP), axis=0,
                keepdims=True)
    oh = (eidx == e).astype(jnp.float32)

    ri = jax.lax.broadcasted_iota(jnp.int32, (BT, BT), 0)
    ci = jax.lax.broadcasted_iota(jnp.int32, (BT, BT), 1)
    utri = (ri < ci).astype(jnp.float32)
    prior = jax.lax.dot_general(
        oh, utri, dimension_numbers=(((1,), (0,)), ((), ())),
        preferred_element_type=jnp.float32,
    )

    base = counts_ref[:, 0:1]
    slot_all = prior.astype(jnp.int32) + base
    slots = jnp.sum(jnp.where(eidx == e, slot_all, 0), axis=0,
                    keepdims=True)

    new_counts = base + jnp.sum(oh, axis=1, keepdims=True).astype(jnp.int32)
    counts_ref[...] = jnp.broadcast_to(new_counts, counts_ref.shape)
    uc_ref[...] = jnp.broadcast_to(
        jnp.minimum(new_counts, capacity), uc_ref.shape)

    p = jnp.where(slots >= capacity, -1, e * capacity + slots)
    p_ref[0, pl.ds(i * BT, BT)] = p[0, :]


def _sec_sc_body(num_chunks, wide, capacity, p_hbm, eye_hbm, zeros_hbm,
                 sec_hbm, p_v, payload, stage):
    info = plsc.get_sparse_core_info()
    wid = lax.axis_index("s") * info.num_cores + lax.axis_index("c")
    base = pl.multiple_of(wid * ROWS_PER_WORKER, ROWS_PER_WORKER)
    pltpu.sync_copy(p_hbm.at[0, pl.ds(base, ROWS_PER_WORKER)], p_v)
    pltpu.sync_copy(zeros_hbm, stage)

    lanes = lax.iota(jnp.int32, 16)
    rows_per_chunk = CHUNK * N_EXP
    shift = capacity.bit_length() - 1

    for c in range(num_chunks):
        off = pl.multiple_of(base * N_EXP + c * rows_per_chunk,
                             rows_per_chunk)
        pltpu.sync_copy(stage, sec_hbm.at[pl.ds(off, rows_per_chunk)])

    for c in range(num_chunks):
        cols = p_v[pl.ds(c * CHUNK, CHUNK)]
        valid = cols >= 0
        t_glob = base + c * CHUNK + lanes
        pos = jnp.where(valid, cols, 0)
        w_vec = jax.lax.shift_right_logical(t_glob * wide + pos, shift)
        l_vec = jnp.where(valid,
                          jnp.bitwise_and(cols, capacity - 1), capacity)
        pltpu.sync_copy(eye_hbm.at[l_vec], payload)
        pltpu.sync_copy(payload, sec_hbm.at[w_vec])


def _cb_tc_body(capacity, p_ref, cb_ref):
    i = pl.program_id(0)
    p_row = p_ref[0, pl.ds(i * BTS, BTS)].reshape(1, BTS).astype(jnp.float32)
    ident = (jax.lax.broadcasted_iota(jnp.int32, (BTS, BTS), 0) ==
             jax.lax.broadcasted_iota(jnp.int32, (BTS, BTS), 1)
             ).astype(jnp.float32)
    p_col = jax.lax.dot_general(
        ident, p_row, dimension_numbers=(((1,), (1,)), ((), ())),
        preferred_element_type=jnp.float32,
    ).astype(jnp.int32)
    j = jax.lax.broadcasted_iota(jnp.int32, (BTS, N_EXP * capacity), 1)
    cb_ref[...] = (j == p_col).astype(jnp.float32)


def kernel(x, w_g):
    num_tokens, n_embd = x.shape
    capacity = _capacity(num_tokens)
    wide = N_EXP * capacity

    uc2, p2 = pl.pallas_call(
        functools.partial(_router_body, capacity),
        grid=(num_tokens // BT,),
        in_specs=[
            pl.BlockSpec((BT, n_embd), lambda i: (i, 0)),
            pl.BlockSpec((N_EXP, n_embd), lambda i: (0, 0)),
        ],
        out_specs=[
            pl.BlockSpec((N_EXP, 128), lambda i: (0, 0)),
            pl.BlockSpec((1, num_tokens), lambda i: (0, 0)),
        ],
        out_shape=[
            jax.ShapeDtypeStruct((N_EXP, 128), jnp.int32),
            jax.ShapeDtypeStruct((1, num_tokens), jnp.int32),
        ],
        scratch_shapes=[pltpu.VMEM((N_EXP, 128), jnp.int32)],
    )(x, w_g)

    num_chunks = ROWS_PER_WORKER // CHUNK
    rows_per_chunk = CHUNK * N_EXP
    eye = jnp.concatenate(
        [jnp.eye(capacity, dtype=jnp.bool_),
         jnp.zeros((1, capacity), jnp.bool_)])
    zeros_chunk = jnp.zeros((rows_per_chunk, capacity), jnp.bool_)
    sec2 = pl.kernel(
        functools.partial(_sec_sc_body, num_chunks, wide, capacity),
        out_type=jax.ShapeDtypeStruct((num_tokens * N_EXP, capacity),
                                      jnp.bool_),
        mesh=plsc.VectorSubcoreMesh(core_axis_name="c", subcore_axis_name="s"),
        scratch_types=[
            pltpu.VMEM((ROWS_PER_WORKER,), jnp.int32),
            pltpu.VMEM((CHUNK, capacity), jnp.bool_),
            pltpu.VMEM((rows_per_chunk, capacity), jnp.bool_),
        ],
    )(p2, eye, zeros_chunk)

    cb2 = pl.pallas_call(
        functools.partial(_cb_tc_body, capacity),
        grid=(num_tokens // BTS,),
        in_specs=[pl.BlockSpec((1, num_tokens), lambda i: (0, 0))],
        out_specs=[pl.BlockSpec((BTS, wide), lambda i: (i, 0))],
        out_shape=[jax.ShapeDtypeStruct((num_tokens, wide), jnp.float32)],
        compiler_params=pltpu.CompilerParams(
            dimension_semantics=("parallel",)),
    )(p2)[0]

    used_capacity = uc2[:, 0]
    cb_weight = cb2.reshape(num_tokens, N_EXP, capacity)
    sec_mask = sec2.reshape(num_tokens, N_EXP, capacity)
    return used_capacity, cb_weight, sec_mask

# --- scband reference (transcript-rebuilt; emitter-appended) ---
"""Pipeline reference for scband-router-9680856285359 (READ-ONLY COPY).

The authoritative reference and input builder live on the scoring server;
editing this copy changes nothing except your own understanding.
"""

import jax, jax.numpy as jnp
import numpy as np
import math

N_EXP = 8
TOP_K = 1
N_EMBD = 1024
NUM_TOKENS = 4096
CAPACITY_FACTOR = 1.0  # eval_capacity == train_capacity == 1.0
MIN_CAPACITY = 4


def get_capacity(num_tokens):
    capacity = math.floor(TOP_K * CAPACITY_FACTOR * num_tokens / N_EXP)
    capacity += capacity % 2
    capacity = max(capacity, MIN_CAPACITY)
    return int(capacity)


def setup_inputs(seed: int = 0) -> dict:
    key = jax.random.key(seed)
    k1, k2 = jax.random.split(key)
    x = jax.random.normal(k1, (NUM_TOKENS, N_EMBD), dtype=jnp.float32)
    # w_g: nn.Linear(n_embd, n_experts, bias=False) weight, shape [n_experts, n_embd]
    w_g = jax.random.normal(k2, (N_EXP, N_EMBD), dtype=jnp.float32) * 0.02
    return {"x": x, "w_g": w_g}


def reference(x, w_g):
    num_tokens = x.shape[0]
    capacity = get_capacity(num_tokens)

    # router logits
    logits = x @ w_g.T  # [N, E]

    # top-k selection
    top_k_logits, top_k_indices = jax.lax.top_k(logits, TOP_K)  # [N, K]

    # router_probs: -inf everywhere except top-k logits, then softmax
    row = jnp.arange(num_tokens)[:, None]
    masked = jnp.full_like(logits, -jnp.inf).at[row, top_k_indices].set(top_k_logits)
    router_probs = jax.nn.softmax(masked, axis=-1)  # [N, E]

    # greedy capacity-constrained slot assignment, in row-major (token, k) order
    flat_experts = top_k_indices.reshape(-1)  # [N*K]
    token_ids = jnp.repeat(jnp.arange(num_tokens), TOP_K)  # [N*K]
    one_hot = jax.nn.one_hot(flat_experts, N_EXP, dtype=jnp.int32)  # [N*K, E]
    prior = jnp.cumsum(one_hot, axis=0) - one_hot  # exclusive cumsum = slot index
    slots = jnp.take_along_axis(prior, flat_experts[:, None], axis=1).squeeze(1)  # [N*K]

    counts = one_hot.sum(axis=0)  # total assignments per expert
    used_capacity = jnp.minimum(counts, capacity).astype(jnp.int32)  # [E]

    weights = router_probs[token_ids, flat_experts]  # [N*K]

    # assignments with slot >= capacity are dropped (out-of-bounds -> mode='drop')
    cb_weight = jnp.zeros((num_tokens, N_EXP, capacity), dtype=x.dtype).at[
        token_ids, flat_experts, slots
    ].set(weights, mode='drop')
    sec_mask = jnp.zeros((num_tokens, N_EXP, capacity), dtype=bool).at[
        token_ids, flat_experts, slots
    ].set(True, mode='drop')

    return (used_capacity, cb_weight, sec_mask)

if __name__ == "__main__":
    import jax
    _d = setup_inputs()
    print(jax.jit(kernel)(*tuple(_d.values())))

</pallas_src>

<mosaic_0001>
#map = affine_map<(d0, d1) -> (0, 0)>
module attributes {stable_mosaic.version = 14 : i64} {
  func.func @_sec_sc_body(%arg0: i32, %arg1: i32, %arg2: memref<1x4096xi32, #tpu.memory_space<hbm>>, %arg3: memref<513x512xi32, #tpu.memory_space<hbm>>, %arg4: memref<128x512xi32, #tpu.memory_space<hbm>>, %arg5: memref<32768x512xi32, #tpu.memory_space<hbm>>, %arg6: memref<128xi32, #tpu.memory_space<vmem>>, %arg7: memref<16x512xi32, #tpu.memory_space<vmem>>, %arg8: memref<128x512xi32, #tpu.memory_space<vmem>>) attributes {dimension_semantics = [#tpu.dimension_semantics<core_parallel>, #tpu.dimension_semantics<subcore_parallel>], iteration_bounds = array<i64: 2, 16>, scalar_prefetch = 0 : i64, scratch_operands = 3 : i64, tpu.core_type = #tpu.core_type<sc_vector_subcore>, window_params = [{transform_indices = #map}, {transform_indices = #map}, {transform_indices = #map}, {transform_indices = #map}]} {
    %mul3A = arith.constant 2 : i32
    %mul3A_0 = arith.muli %arg1, %mul3A : i32
    %add3A = arith.addi %mul3A_0, %arg0 : i32
    %mul3A_1 = arith.constant 128 : i32
    %mul3A_2 = arith.muli %add3A, %mul3A_1 : i32
    %multiple_of3A = tpu.assume_multiple %mul3A_2, 128 : i32
    %run_scoped3A = arith.constant 0 : i32
    "tpu.region"() ({
      %run_scoped3A_244 = tpu.sem_alloc : memref<!tpu.dma_semaphore, #tpu.memory_space<semaphore_mem>>
      %dma_start3A = tpu.memref_slice %arg2[%run_scoped3A, %multiple_of3A] : memref<1x4096xi32, #tpu.memory_space<hbm>> -> memref<1x128xi32, #tpu.memory_space<hbm>>
      %dma_start3A_245 = tpu.memref_squeeze %dma_start3A : memref<1x128xi32, #tpu.memory_space<hbm>> -> memref<128xi32, #tpu.memory_space<hbm>>
      %dma_start3A_246 = tpu.memref_slice %arg2[%run_scoped3A, %multiple_of3A] : memref<1x4096xi32, #tpu.memory_space<hbm>> -> memref<1x128xi32, #tpu.memory_space<hbm>>
      %dma_start3A_247 = tpu.memref_squeeze %dma_start3A_246 : memref<1x128xi32, #tpu.memory_space<hbm>> -> memref<128xi32, #tpu.memory_space<hbm>>
      tpu.enqueue_dma source(%dma_start3A_247 : memref<128xi32, #tpu.memory_space<hbm>>) target(%arg6 : memref<128xi32, #tpu.memory_space<vmem>>) target_semaphore(%run_scoped3A_244 : memref<!tpu.dma_semaphore, #tpu.memory_space<semaphore_mem>>)
      %dma_wait3A = tpu.memref_slice %arg2[%run_scoped3A, %multiple_of3A] : memref<1x4096xi32, #tpu.memory_space<hbm>> -> memref<1x128xi32, #tpu.memory_space<hbm>>
      %dma_wait3A_248 = tpu.memref_squeeze %dma_wait3A : memref<1x128xi32, #tpu.memory_space<hbm>> -> memref<128xi32, #tpu.memory_space<hbm>>
      %dma_wait3A_249 = tpu.memref_slice %arg2[%run_scoped3A, %multiple_of3A] : memref<1x4096xi32, #tpu.memory_space<hbm>> -> memref<1x128xi32, #tpu.memory_space<hbm>>
      %dma_wait3A_250 = tpu.memref_squeeze %dma_wait3A_249 : memref<1x128xi32, #tpu.memory_space<hbm>> -> memref<128xi32, #tpu.memory_space<hbm>>
      tpu.wait_dma2 semaphore(%run_scoped3A_244 : memref<!tpu.dma_semaphore, #tpu.memory_space<semaphore_mem>>) src(%dma_wait3A_250 : memref<128xi32, #tpu.memory_space<hbm>>) dst(%arg6 : memref<128xi32, #tpu.memory_space<vmem>>)
      tpu.yield
    }) : () -> ()
    "tpu.region"() ({
      %run_scoped3A_244 = tpu.sem_alloc : memref<!tpu.dma_semaphore, #tpu.memory_space<semaphore_mem>>
      tpu.enqueue_dma source(%arg4 : memref<128x512xi32, #tpu.memory_space<hbm>>) target(%arg8 : memref<128x512xi32, #tpu.memory_space<vmem>>) target_semaphore(%run_scoped3A_244 : memref<!tpu.dma_semaphore, #tpu.memory_space<semaphore_mem>>)
      tpu.wait_dma2 semaphore(%run_scoped3A_244 : memref<!tpu.dma_semaphore, #tpu.memory_space<semaphore_mem>>) src(%arg4 : memref<128x512xi32, #tpu.memory_space<hbm>>) dst(%arg8 : memref<128x512xi32, #tpu.memory_space<vmem>>)
      tpu.yield
    }) : () -> ()
    %iota3A = tpu.iota {dimensions = array<i32: 0>} : vector<16xi32>
    %mul3A_3 = arith.constant 8 : i32
    %mul3A_4 = arith.muli %multiple_of3A, %mul3A_3 : i32
    %add3A_5 = arith.constant 0 : i32
    %add3A_6 = arith.addi %mul3A_4, %add3A_5 : i32
    %multiple_of3A_7 = tpu.assume_multiple %add3A_6, 128 : i32
    "tpu.region"() ({
      %run_scoped3A_244 = tpu.sem_alloc : memref<!tpu.dma_semaphore, #tpu.memory_space<semaphore_mem>>
      %dma_start3A = arith.constant 0 : i32
      %dma_start3A_245 = tpu.memref_slice %arg5[%multiple_of3A_7, %dma_start3A] : memref<32768x512xi32, #tpu.memory_space<hbm>> -> memref<128x512xi32, #tpu.memory_space<hbm>>
      %dma_start3A_246 = arith.constant 0 : i32
      %dma_start3A_247 = tpu.memref_slice %arg5[%multiple_of3A_7, %dma_start3A_246] : memref<32768x512xi32, #tpu.memory_space<hbm>> -> memref<128x512xi32, #tpu.memory_space<hbm>>
      tpu.enqueue_dma source(%arg8 : memref<128x512xi32, #tpu.memory_space<vmem>>) target(%dma_start3A_247 : memref<128x512xi32, #tpu.memory_space<hbm>>) target_semaphore(%run_scoped3A_244 : memref<!tpu.dma_semaphore, #tpu.memory_space<semaphore_mem>>)
      %dma_wait3A = arith.constant 0 : i32
      %dma_wait3A_248 = tpu.memref_slice %arg5[%multiple_of3A_7, %dma_wait3A] : memref<32768x512xi32, #tpu.memory_space<hbm>> -> memref<128x512xi32, #tpu.memory_space<hbm>>
      %dma_wait3A_249 = arith.constant 0 : i32
      %dma_wait3A_250 = tpu.memref_slice %arg5[%multiple_of3A_7, %dma_wait3A_249] : memref<32768x512xi32, #tpu.memory_space<hbm>> -> memref<128x512xi32, #tpu.memory_space<hbm>>
      tpu.wait_dma2 semaphore(%run_scoped3A_244 : memref<!tpu.dma_semaphore, #tpu.memory_space<semaphore_mem>>) src(%arg8 : memref<128x512xi32, #tpu.memory_space<vmem>>) dst(%dma_wait3A_250 : memref<128x512xi32, #tpu.memory_space<hbm>>)
      tpu.yield
    }) : () -> ()
    %mul3A_8 = arith.constant 8 : i32
    %mul3A_9 = arith.muli %multiple_of3A, %mul3A_8 : i32
    %add3A_10 = arith.constant 128 : i32
    %add3A_11 = arith.addi %mul3A_9, %add3A_10 : i32
    %multiple_of3A_12 = tpu.assume_multiple %add3A_11, 128 : i32
    "tpu.region"() ({
      %run_scoped3A_244 = tpu.sem_alloc : memref<!tpu.dma_semaphore, #tpu.memory_space<semaphore_mem>>
      %dma_start3A = arith.constant 0 : i32
      %dma_start3A_245 = tpu.memref_slice %arg5[%multiple_of3A_12, %dma_start3A] : memref<32768x512xi32, #tpu.memory_space<hbm>> -> memref<128x512xi32, #tpu.memory_space<hbm>>
      %dma_start3A_246 = arith.constant 0 : i32
      %dma_start3A_247 = tpu.memref_slice %arg5[%multiple_of3A_12, %dma_start3A_246] : memref<32768x512xi32, #tpu.memory_space<hbm>> -> memref<128x512xi32, #tpu.memory_space<hbm>>
      tpu.enqueue_dma source(%arg8 : memref<128x512xi32, #tpu.memory_space<vmem>>) target(%dma_start3A_247 : memref<128x512xi32, #tpu.memory_space<hbm>>) target_semaphore(%run_scoped3A_244 : memref<!tpu.dma_semaphore, #tpu.memory_space<semaphore_mem>>)
      %dma_wait3A = arith.constant 0 : i32
      %dma_wait3A_248 = tpu.memref_slice %arg5[%multiple_of3A_12, %dma_wait3A] : memref<32768x512xi32, #tpu.memory_space<hbm>> -> memref<128x512xi32, #tpu.memory_space<hbm>>
      %dma_wait3A_249 = arith.constant 0 : i32
      %dma_wait3A_250 = tpu.memref_slice %arg5[%multiple_of3A_12, %dma_wait3A_249] : memref<32768x512xi32, #tpu.memory_space<hbm>> -> memref<128x512xi32, #tpu.memory_space<hbm>>
      tpu.wait_dma2 semaphore(%run_scoped3A_244 : memref<!tpu.dma_semaphore, #tpu.memory_space<semaphore_mem>>) src(%arg8 : memref<128x512xi32, #tpu.memory_space<vmem>>) dst(%dma_wait3A_250 : memref<128x512xi32, #tpu.memory_space<hbm>>)
      tpu.yield
    }) : () -> ()
    %mul3A_13 = arith.constant 8 : i32
    %mul3A_14 = arith.muli %multiple_of3A, %mul3A_13 : i32
    %add3A_15 = arith.constant 256 : i32
    %add3A_16 = arith.addi %mul3A_14, %add3A_15 : i32
    %multiple_of3A_17 = tpu.assume_multiple %add3A_16, 128 : i32
    "tpu.region"() ({
      %run_scoped3A_244 = tpu.sem_alloc : memref<!tpu.dma_semaphore, #tpu.memory_space<semaphore_mem>>
      %dma_start3A = arith.constant 0 : i32
      %dma_start3A_245 = tpu.memref_slice %arg5[%multiple_of3A_17, %dma_start3A] : memref<32768x512xi32, #tpu.memory_space<hbm>> -> memref<128x512xi32, #tpu.memory_space<hbm>>
      %dma_start3A_246 = arith.constant 0 : i32
      %dma_start3A_247 = tpu.memref_slice %arg5[%multiple_of3A_17, %dma_start3A_246] : memref<32768x512xi32, #tpu.memory_space<hbm>> -> memref<128x512xi32, #tpu.memory_space<hbm>>
      tpu.enqueue_dma source(%arg8 : memref<128x512xi32, #tpu.memory_space<vmem>>) target(%dma_start3A_247 : memref<128x512xi32, #tpu.memory_space<hbm>>) target_semaphore(%run_scoped3A_244 : memref<!tpu.dma_semaphore, #tpu.memory_space<semaphore_mem>>)
      %dma_wait3A = arith.constant 0 : i32
      %dma_wait3A_248 = tpu.memref_slice %arg5[%multiple_of3A_17, %dma_wait3A] : memref<32768x512xi32, #tpu.memory_space<hbm>> -> memref<128x512xi32, #tpu.memory_space<hbm>>
      %dma_wait3A_249 = arith.constant 0 : i32
      %dma_wait3A_250 = tpu.memref_slice %arg5[%multiple_of3A_17, %dma_wait3A_249] : memref<32768x512xi32, #tpu.memory_space<hbm>> -> memref<128x512xi32, #tpu.memory_space<hbm>>
      tpu.wait_dma2 semaphore(%run_scoped3A_244 : memref<!tpu.dma_semaphore, #tpu.memory_space<semaphore_mem>>) src(%arg8 : memref<128x512xi32, #tpu.memory_space<vmem>>) dst(%dma_wait3A_250 : memref<128x512xi32, #tpu.memory_space<hbm>>)
      tpu.yield
    }) : () -> ()
    %mul3A_18 = arith.constant 8 : i32
    %mul3A_19 = arith.muli %multiple_of3A, %mul3A_18 : i32
    %add3A_20 = arith.constant 384 : i32
    %add3A_21 = arith.addi %mul3A_19, %add3A_20 : i32
    %multiple_of3A_22 = tpu.assume_multiple %add3A_21, 128 : i32
    "tpu.region"() ({
      %run_scoped3A_244 = tpu.sem_alloc : memref<!tpu.dma_semaphore, #tpu.memory_space<semaphore_mem>>
      %dma_start3A = arith.constant 0 : i32
      %dma_start3A_245 = tpu.memref_slice %arg5[%multiple_of3A_22, %dma_start3A] : memref<32768x512xi32, #tpu.memory_space<hbm>> -> memref<128x512xi32, #tpu.memory_space<hbm>>
      %dma_start3A_246 = arith.constant 0 : i32
      %dma_start3A_247 = tpu.memref_slice %arg5[%multiple_of3A_22, %dma_start3A_246] : memref<32768x512xi32, #tpu.memory_space<hbm>> -> memref<128x512xi32, #tpu.memory_space<hbm>>
      tpu.enqueue_dma source(%arg8 : memref<128x512xi32, #tpu.memory_space<vmem>>) target(%dma_start3A_247 : memref<128x512xi32, #tpu.memory_space<hbm>>) target_semaphore(%run_scoped3A_244 : memref<!tpu.dma_semaphore, #tpu.memory_space<semaphore_mem>>)
      %dma_wait3A = arith.constant 0 : i32
      %dma_wait3A_248 = tpu.memref_slice %arg5[%multiple_of3A_22, %dma_wait3A] : memref<32768x512xi32, #tpu.memory_space<hbm>> -> memref<128x512xi32, #tpu.memory_space<hbm>>
      %dma_wait3A_249 = arith.constant 0 : i32
      %dma_wait3A_250 = tpu.memref_slice %arg5[%multiple_of3A_22, %dma_wait3A_249] : memref<32768x512xi32, #tpu.memory_space<hbm>> -> memref<128x512xi32, #tpu.memory_space<hbm>>
      tpu.wait_dma2 semaphore(%run_scoped3A_244 : memref<!tpu.dma_semaphore, #tpu.memory_space<semaphore_mem>>) src(%arg8 : memref<128x512xi32, #tpu.memory_space<vmem>>) dst(%dma_wait3A_250 : memref<128x512xi32, #tpu.memory_space<hbm>>)
      tpu.yield
    }) : () -> ()
    %mul3A_23 = arith.constant 8 : i32
    %mul3A_24 = arith.muli %multiple_of3A, %mul3A_23 : i32
    %add3A_25 = arith.constant 512 : i32
    %add3A_26 = arith.addi %mul3A_24, %add3A_25 : i32
    %multiple_of3A_27 = tpu.assume_multiple %add3A_26, 128 : i32
    "tpu.region"() ({
      %run_scoped3A_244 = tpu.sem_alloc : memref<!tpu.dma_semaphore, #tpu.memory_space<semaphore_mem>>
      %dma_start3A = arith.constant 0 : i32
      %dma_start3A_245 = tpu.memref_slice %arg5[%multiple_of3A_27, %dma_start3A] : memref<32768x512xi32, #tpu.memory_space<hbm>> -> memref<128x512xi32, #tpu.memory_space<hbm>>
      %dma_start3A_246 = arith.constant 0 : i32
      %dma_start3A_247 = tpu.memref_slice %arg5[%multiple_of3A_27, %dma_start3A_246] : memref<32768x512xi32, #tpu.memory_space<hbm>> -> memref<128x512xi32, #tpu.memory_space<hbm>>
      tpu.enqueue_dma source(%arg8 : memref<128x512xi32, #tpu.memory_space<vmem>>) target(%dma_start3A_247 : memref<128x512xi32, #tpu.memory_space<hbm>>) target_semaphore(%run_scoped3A_244 : memref<!tpu.dma_semaphore, #tpu.memory_space<semaphore_mem>>)
      %dma_wait3A = arith.constant 0 : i32
      %dma_wait3A_248 = tpu.memref_slice %arg5[%multiple_of3A_27, %dma_wait3A] : memref<32768x512xi32, #tpu.memory_space<hbm>> -> memref<128x512xi32, #tpu.memory_space<hbm>>
      %dma_wait3A_249 = arith.constant 0 : i32
      %dma_wait3A_250 = tpu.memref_slice %arg5[%multiple_of3A_27, %dma_wait3A_249] : memref<32768x512xi32, #tpu.memory_space<hbm>> -> memref<128x512xi32, #tpu.memory_space<hbm>>
      tpu.wait_dma2 semaphore(%run_scoped3A_244 : memref<!tpu.dma_semaphore, #tpu.memory_space<semaphore_mem>>) src(%arg8 : memref<128x512xi32, #tpu.memory_space<vmem>>) dst(%dma_wait3A_250 : memref<128x512xi32, #tpu.memory_space<hbm>>)
      tpu.yield
    }) : () -> ()
    %mul3A_28 = arith.constant 8 : i32
    %mul3A_29 = arith.muli %multiple_of3A, %mul3A_28 : i32
    %add3A_30 = arith.constant 640 : i32
    %add3A_31 = arith.addi %mul3A_29, %add3A_30 : i32
    %multiple_of3A_32 = tpu.assume_multiple %add3A_31, 128 : i32
    "tpu.region"() ({
      %run_scoped3A_244 = tpu.sem_alloc : memref<!tpu.dma_semaphore, #tpu.memory_space<semaphore_mem>>
      %dma_start3A = arith.constant 0 : i32
      %dma_start3A_245 = tpu.memref_slice %arg5[%multiple_of3A_32, %dma_start3A] : memref<32768x512xi32, #tpu.memory_space<hbm>> -> memref<128x512xi32, #tpu.memory_space<hbm>>
      %dma_start3A_246 = arith.constant 0 : i32
      %dma_start3A_247 = tpu.memref_slice %arg5[%multiple_of3A_32, %dma_start3A_246] : memref<32768x512xi32, #tpu.memory_space<hbm>> -> memref<128x512xi32, #tpu.memory_space<hbm>>
      tpu.enqueue_dma source(%arg8 : memref<128x512xi32, #tpu.memory_space<vmem>>) target(%dma_start3A_247 : memref<128x512xi32, #tpu.memory_space<hbm>>) target_semaphore(%run_scoped3A_244 : memref<!tpu.dma_semaphore, #tpu.memory_space<semaphore_mem>>)
      %dma_wait3A = arith.constant 0 : i32
      %dma_wait3A_248 = tpu.memref_slice %arg5[%multiple_of3A_32, %dma_wait3A] : memref<32768x512xi32, #tpu.memory_space<hbm>> -> memref<128x512xi32, #tpu.memory_space<hbm>>
      %dma_wait3A_249 = arith.constant 0 : i32
      %dma_wait3A_250 = tpu.memref_slice %arg5[%multiple_of3A_32, %dma_wait3A_249] : memref<32768x512xi32, #tpu.memory_space<hbm>> -> memref<128x512xi32, #tpu.memory_space<hbm>>
      tpu.wait_dma2 semaphore(%run_scoped3A_244 : memref<!tpu.dma_semaphore, #tpu.memory_space<semaphore_mem>>) src(%arg8 : memref<128x512xi32, #tpu.memory_space<vmem>>) dst(%dma_wait3A_250 : memref<128x512xi32, #tpu.memory_space<hbm>>)
      tpu.yield
    }) : () -> ()
    %mul3A_33 = arith.constant 8 : i32
    %mul3A_34 = arith.muli %multiple_of3A, %mul3A_33 : i32
    %add3A_35 = arith.constant 768 : i32
    %add3A_36 = arith.addi %mul3A_34, %add3A_35 : i32
    %multiple_of3A_37 = tpu.assume_multiple %add3A_36, 128 : i32
    "tpu.region"() ({
      %run_scoped3A_244 = tpu.sem_alloc : memref<!tpu.dma_semaphore, #tpu.memory_space<semaphore_mem>>
      %dma_start3A = arith.constant 0 : i32
      %dma_start3A_245 = tpu.memref_slice %arg5[%multiple_of3A_37, %dma_start3A] : memref<32768x512xi32, #tpu.memory_space<hbm>> -> memref<128x512xi32, #tpu.memory_space<hbm>>
      %dma_start3A_246 = arith.constant 0 : i32
      %dma_start3A_247 = tpu.memref_slice %arg5[%multiple_of3A_37, %dma_start3A_246] : memref<32768x512xi32, #tpu.memory_space<hbm>> -> memref<128x512xi32, #tpu.memory_space<hbm>>
      tpu.enqueue_dma source(%arg8 : memref<128x512xi32, #tpu.memory_space<vmem>>) target(%dma_start3A_247 : memref<128x512xi32, #tpu.memory_space<hbm>>) target_semaphore(%run_scoped3A_244 : memref<!tpu.dma_semaphore, #tpu.memory_space<semaphore_mem>>)
      %dma_wait3A = arith.constant 0 : i32
      %dma_wait3A_248 = tpu.memref_slice %arg5[%multiple_of3A_37, %dma_wait3A] : memref<32768x512xi32, #tpu.memory_space<hbm>> -> memref<128x512xi32, #tpu.memory_space<hbm>>
      %dma_wait3A_249 = arith.constant 0 : i32
      %dma_wait3A_250 = tpu.memref_slice %arg5[%multiple_of3A_37, %dma_wait3A_249] : memref<32768x512xi32, #tpu.memory_space<hbm>> -> memref<128x512xi32, #tpu.memory_space<hbm>>
      tpu.wait_dma2 semaphore(%run_scoped3A_244 : memref<!tpu.dma_semaphore, #tpu.memory_space<semaphore_mem>>) src(%arg8 : memref<128x512xi32, #tpu.memory_space<vmem>>) dst(%dma_wait3A_250 : memref<128x512xi32, #tpu.memory_space<hbm>>)
      tpu.yield
    }) : () -> ()
    %mul3A_38 = arith.constant 8 : i32
    %mul3A_39 = arith.muli %multiple_of3A, %mul3A_38 : i32
    %add3A_40 = arith.constant 896 : i32
    %add3A_41 = arith.addi %mul3A_39, %add3A_40 : i32
    %multiple_of3A_42 = tpu.assume_multiple %add3A_41, 128 : i32
    "tpu.region"() ({
      %run_scoped3A_244 = tpu.sem_alloc : memref<!tpu.dma_semaphore, #tpu.memory_space<semaphore_mem>>
      %dma_start3A = arith.constant 0 : i32
      %dma_start3A_245 = tpu.memref_slice %arg5[%multiple_of3A_42, %dma_start3A] : memref<32768x512xi32, #tpu.memory_space<hbm>> -> memref<128x512xi32, #tpu.memory_space<hbm>>
      %dma_start3A_246 = arith.constant 0 : i32
      %dma_start3A_247 = tpu.memref_slice %arg5[%multiple_of3A_42, %dma_start3A_246] : memref<32768x512xi32, #tpu.memory_space<hbm>> -> memref<128x512xi32, #tpu.memory_space<hbm>>
      tpu.enqueue_dma source(%arg8 : memref<128x512xi32, #tpu.memory_space<vmem>>) target(%dma_start3A_247 : memref<128x512xi32, #tpu.memory_space<hbm>>) target_semaphore(%run_scoped3A_244 : memref<!tpu.dma_semaphore, #tpu.memory_space<semaphore_mem>>)
      %dma_wait3A = arith.constant 0 : i32
      %dma_wait3A_248 = tpu.memref_slice %arg5[%multiple_of3A_42, %dma_wait3A] : memref<32768x512xi32, #tpu.memory_space<hbm>> -> memref<128x512xi32, #tpu.memory_space<hbm>>
      %dma_wait3A_249 = arith.constant 0 : i32
      %dma_wait3A_250 = tpu.memref_slice %arg5[%multiple_of3A_42, %dma_wait3A_249] : memref<32768x512xi32, #tpu.memory_space<hbm>> -> memref<128x512xi32, #tpu.memory_space<hbm>>
      tpu.wait_dma2 semaphore(%run_scoped3A_244 : memref<!tpu.dma_semaphore, #tpu.memory_space<semaphore_mem>>) src(%arg8 : memref<128x512xi32, #tpu.memory_space<vmem>>) dst(%dma_wait3A_250 : memref<128x512xi32, #tpu.memory_space<hbm>>)
      tpu.yield
    }) : () -> ()
    %get3A = arith.constant 0 : index
    %get3A_43 = tpu.vector_load %arg6[%get3A] {strides = array<i32>} : memref<128xi32, #tpu.memory_space<vmem>>, vector<16xi32>,
    %get3A_44 = vector.shape_cast %get3A_43 : vector<16xi32> to vector<16xi32>
    %ge3A = arith.constant 0 : i32
    %ge3A_45 = vector.broadcast %ge3A : i32 to vector<16xi32>
    %ge3A_46 = arith.cmpi sge, %get3A_44, %ge3A_45 : vector<16xi32>
    %add3A_47 = arith.constant 0 : i32
    %add3A_48 = arith.addi %multiple_of3A, %add3A_47 : i32
    %add3A_49 = vector.broadcast %add3A_48 : i32 to vector<16xi32>
    %add3A_50 = arith.addi %add3A_49, %iota3A : vector<16xi32>
    %jit3A = arith.constant 0 : i32
    %broadcast_in_dim3A = vector.broadcast %jit3A : i32 to vector<16xi32>
    %select_n3A = arith.select %ge3A_46, %get3A_44, %broadcast_in_dim3A : vector<16xi1>, vector<16xi32>
    %mul3A_51 = arith.constant 4096 : i32
    %mul3A_52 = vector.broadcast %mul3A_51 : i32 to vector<16xi32>
    %mul3A_53 = arith.muli %add3A_50, %mul3A_52 : vector<16xi32>
    %add3A_54 = arith.addi %mul3A_53, %select_n3A : vector<16xi32>
    %shift_right_logical3A = arith.constant 9 : i32
    %shift_right_logical3A_55 = vector.broadcast %shift_right_logical3A : i32 to vector<16xi32>
    %shift_right_logical3A_56 = arith.shrui %add3A_54, %shift_right_logical3A_55 : vector<16xi32>
    %and3A = arith.constant 511 : i32
    %and3A_57 = vector.broadcast %and3A : i32 to vector<16xi32>
    %and3A_58 = arith.andi %get3A_44, %and3A_57 : vector<16xi32>
    %jit3A_59 = arith.constant 512 : i32
    %broadcast_in_dim3A_60 = vector.broadcast %jit3A_59 : i32 to vector<16xi32>
    %select_n3A_61 = arith.select %ge3A_46, %and3A_58, %broadcast_in_dim3A_60 : vector<16xi1>, vector<16xi32>
    "tpu.region"() ({
      %run_scoped3A_244 = tpu.sem_alloc : memref<!tpu.dma_semaphore, #tpu.memory_space<semaphore_mem>>
      %dma_start3A = arith.constant 0 : i32
      %dma_start3A_245 = arith.constant 0 : i32
      %dma_start3A_246 = tpu.memref_slice %arg3[%dma_start3A, %dma_start3A_245] : memref<513x512xi32, #tpu.memory_space<hbm>> -> memref<513x512xi32, #tpu.memory_space<hbm>>
      tpu.enqueue_indirect_dma source(%dma_start3A_246 : memref<513x512xi32, #tpu.memory_space<hbm>>) target(%arg7 : memref<16x512xi32, #tpu.memory_space<vmem>>) offsets(%select_n3A_61 : vector<16xi32>) semaphore(%run_scoped3A_244 : memref<!tpu.dma_semaphore, #tpu.memory_space<semaphore_mem>>)
      %dma_wait3A = arith.constant 0 : i32
      %dma_wait3A_247 = arith.constant 0 : i32
      %dma_wait3A_248 = tpu.memref_slice %arg3[%dma_wait3A, %dma_wait3A_247] : memref<513x512xi32, #tpu.memory_space<hbm>> -> memref<513x512xi32, #tpu.memory_space<hbm>>
      tpu.wait_indirect_dma semaphore(%run_scoped3A_244 : memref<!tpu.dma_semaphore, #tpu.memory_space<semaphore_mem>>) src(%dma_wait3A_248 : memref<513x512xi32, #tpu.memory_space<hbm>>) dst(%arg7 : memref<16x512xi32, #tpu.memory_space<vmem>>)
      tpu.yield
    }) : () -> ()
    "tpu.region"() ({
      %run_scoped3A_244 = tpu.sem_alloc : memref<!tpu.dma_semaphore, #tpu.memory_space<semaphore_mem>>
      %dma_start3A = arith.constant 0 : i32
      %dma_start3A_245 = arith.constant 0 : i32
      %dma_start3A_246 = tpu.memref_slice %arg5[%dma_start3A, %dma_start3A_245] : memref<32768x512xi32, #tpu.memory_space<hbm>> -> memref<32768x512xi32, #tpu.memory_space<hbm>>
      tpu.enqueue_indirect_dma source(%arg7 : memref<16x512xi32, #tpu.memory_space<vmem>>) target(%dma_start3A_246 : memref<32768x512xi32, #tpu.memory_space<hbm>>) offsets(%shift_right_logical3A_56 : vector<16xi32>) semaphore(%run_scoped3A_244 : memref<!tpu.dma_semaphore, #tpu.memory_space<semaphore_mem>>)
      %dma_wait3A = arith.constant 0 : i32
      %dma_wait3A_247 = arith.constant 0 : i32
      %dma_wait3A_248 = tpu.memref_slice %arg5[%dma_wait3A, %dma_wait3A_247] : memref<32768x512xi32, #tpu.memory_space<hbm>> -> memref<32768x512xi32, #tpu.memory_space<hbm>>
      tpu.wait_indirect_dma semaphore(%run_scoped3A_244 : memref<!tpu.dma_semaphore, #tpu.memory_space<semaphore_mem>>) src(%arg7 : memref<16x512xi32, #tpu.memory_space<vmem>>) dst(%dma_wait3A_248 : memref<32768x512xi32, #tpu.memory_space<hbm>>)
      tpu.yield
    }) : () -> ()
    %get3A_62 = arith.constant 16 : index
    %get3A_63 = tpu.vector_load %arg6[%get3A_62] {strides = array<i32>} : memref<128xi32, #tpu.memory_space<vmem>>, vector<16xi32>,
    %get3A_64 = vector.shape_cast %get3A_63 : vector<16xi32> to vector<16xi32>
    %ge3A_65 = arith.constant 0 : i32
    %ge3A_66 = vector.broadcast %ge3A_65 : i32 to vector<16xi32>
    %ge3A_67 = arith.cmpi sge, %get3A_64, %ge3A_66 : vector<16xi32>
    %add3A_68 = arith.constant 16 : i32
    %add3A_69 = arith.addi %multiple_of3A, %add3A_68 : i32
    %add3A_70 = vector.broadcast %add3A_69 : i32 to vector<16xi32>
    %add3A_71 = arith.addi %add3A_70, %iota3A : vector<16xi32>
    %jit3A_72 = arith.constant 0 : i32
    %broadcast_in_dim3A_73 = vector.broadcast %jit3A_72 : i32 to vector<16xi32>
    %select_n3A_74 = arith.select %ge3A_67, %get3A_64, %broadcast_in_dim3A_73 : vector<16xi1>, vector<16xi32>
    %mul3A_75 = arith.constant 4096 : i32
    %mul3A_76 = vector.broadcast %mul3A_75 : i32 to vector<16xi32>
    %mul3A_77 = arith.muli %add3A_71, %mul3A_76 : vector<16xi32>
    %add3A_78 = arith.addi %mul3A_77, %select_n3A_74 : vector<16xi32>
    %shift_right_logical3A_79 = arith.constant 9 : i32
    %shift_right_logical3A_80 = vector.broadcast %shift_right_logical3A_79 : i32 to vector<16xi32>
    %shift_right_logical3A_81 = arith.shrui %add3A_78, %shift_right_logical3A_80 : vector<16xi32>
    %and3A_82 = arith.constant 511 : i32
    %and3A_83 = vector.broadcast %and3A_82 : i32 to vector<16xi32>
    %and3A_84 = arith.andi %get3A_64, %and3A_83 : vector<16xi32>
    %jit3A_85 = arith.constant 512 : i32
    %broadcast_in_dim3A_86 = vector.broadcast %jit3A_85 : i32 to vector<16xi32>
    %select_n3A_87 = arith.select %ge3A_67, %and3A_84, %broadcast_in_dim3A_86 : vector<16xi1>, vector<16xi32>
    "tpu.region"() ({
      %run_scoped3A_244 = tpu.sem_alloc : memref<!tpu.dma_semaphore, #tpu.memory_space<semaphore_mem>>
      %dma_start3A = arith.constant 0 : i32
      %dma_start3A_245 = arith.constant 0 : i32
      %dma_start3A_246 = tpu.memref_slice %arg3[%dma_start3A, %dma_start3A_245] : memref<513x512xi32, #tpu.memory_space<hbm>> -> memref<513x512xi32, #tpu.memory_space<hbm>>
      tpu.enqueue_indirect_dma source(%dma_start3A_246 : memref<513x512xi32, #tpu.memory_space<hbm>>) target(%arg7 : memref<16x512xi32, #tpu.memory_space<vmem>>) offsets(%select_n3A_87 : vector<16xi32>) semaphore(%run_scoped3A_244 : memref<!tpu.dma_semaphore, #tpu.memory_space<semaphore_mem>>)
      %dma_wait3A = arith.constant 0 : i32
      %dma_wait3A_247 = arith.constant 0 : i32
      %dma_wait3A_248 = tpu.memref_slice %arg3[%dma_wait3A, %dma_wait3A_247] : memref<513x512xi32, #tpu.memory_space<hbm>> -> memref<513x512xi32, #tpu.memory_space<hbm>>
      tpu.wait_indirect_dma semaphore(%run_scoped3A_244 : memref<!tpu.dma_semaphore, #tpu.memory_space<semaphore_mem>>) src(%dma_wait3A_248 : memref<513x512xi32, #tpu.memory_space<hbm>>) dst(%arg7 : memref<16x512xi32, #tpu.memory_space<vmem>>)
      tpu.yield
    }) : () -> ()
    "tpu.region"() ({
      %run_scoped3A_244 = tpu.sem_alloc : memref<!tpu.dma_semaphore, #tpu.memory_space<semaphore_mem>>
      %dma_start3A = arith.constant 0 : i32
      %dma_start3A_245 = arith.constant 0 : i32
      %dma_start3A_246 = tpu.memref_slice %arg5[%dma_start3A, %dma_start3A_245] : memref<32768x512xi32, #tpu.memory_space<hbm>> -> memref<32768x512xi32, #tpu.memory_space<hbm>>
      tpu.enqueue_indirect_dma source(%arg7 : memref<16x512xi32, #tpu.memory_space<vmem>>) target(%dma_start3A_246 : memref<32768x512xi32, #tpu.memory_space<hbm>>) offsets(%shift_right_logical3A_81 : vector<16xi32>) semaphore(%run_scoped3A_244 : memref<!tpu.dma_semaphore, #tpu.memory_space<semaphore_mem>>)
      %dma_wait3A = arith.constant 0 : i32
      %dma_wait3A_247 = arith.constant 0 : i32
      %dma_wait3A_248 = tpu.memref_slice %arg5[%dma_wait3A, %dma_wait3A_247] : memref<32768x512xi32, #tpu.memory_space<hbm>> -> memref<32768x512xi32, #tpu.memory_space<hbm>>
      tpu.wait_indirect_dma semaphore(%run_scoped3A_244 : memref<!tpu.dma_semaphore, #tpu.memory_space<semaphore_mem>>) src(%arg7 : memref<16x512xi32, #tpu.memory_space<vmem>>) dst(%dma_wait3A_248 : memref<32768x512xi32, #tpu.memory_space<hbm>>)
      tpu.yield
    }) : () -> ()
    %get3A_88 = arith.constant 32 : index
    %get3A_89 = tpu.vector_load %arg6[%get3A_88] {strides = array<i32>} : memref<128xi32, #tpu.memory_space<vmem>>, vector<16xi32>,
    %get3A_90 = vector.shape_cast %get3A_89 : vector<16xi32> to vector<16xi32>
    %ge3A_91 = arith.constant 0 : i32
    %ge3A_92 = vector.broadcast %ge3A_91 : i32 to vector<16xi32>
    %ge3A_93 = arith.cmpi sge, %get3A_90, %ge3A_92 : vector<16xi32>
    %add3A_94 = arith.constant 32 : i32
    %add3A_95 = arith.addi %multiple_of3A, %add3A_94 : i32
    %add3A_96 = vector.broadcast %add3A_95 : i32 to vector<16xi32>
    %add3A_97 = arith.addi %add3A_96, %iota3A : vector<16xi32>
    %jit3A_98 = arith.constant 0 : i32
    %broadcast_in_dim3A_99 = vector.broadcast %jit3A_98 : i32 to vector<16xi32>
    %select_n3A_100 = arith.select %ge3A_93, %get3A_90, %broadcast_in_dim3A_99 : vector<16xi1>, vector<16xi32>
    %mul3A_101 = arith.constant 4096 : i32
    %mul3A_102 = vector.broadcast %mul3A_101 : i32 to vector<16xi32>
    %mul3A_103 = arith.muli %add3A_97, %mul3A_102 : vector<16xi32>
    %add3A_104 = arith.addi %mul3A_103, %select_n3A_100 : vector<16xi32>
    %shift_right_logical3A_105 = arith.constant 9 : i32
    %shift_right_logical3A_106 = vector.broadcast %shift_right_logical3A_105 : i32 to vector<16xi32>
    %shift_right_logical3A_107 = arith.shrui %add3A_104, %shift_right_logical3A_106 : vector<16xi32>
    %and3A_108 = arith.constant 511 : i32
    %and3A_109 = vector.broadcast %and3A_108 : i32 to vector<16xi32>
    %and3A_110 = arith.andi %get3A_90, %and3A_109 : vector<16xi32>
    %jit3A_111 = arith.constant 512 : i32
    %broadcast_in_dim3A_112 = vector.broadcast %jit3A_111 : i32 to vector<16xi32>
    %select_n3A_113 = arith.select %ge3A_93, %and3A_110, %broadcast_in_dim3A_112 : vector<16xi1>, vector<16xi32>
    "tpu.region"() ({
      %run_scoped3A_244 = tpu.sem_alloc : memref<!tpu.dma_semaphore, #tpu.memory_space<semaphore_mem>>
      %dma_start3A = arith.constant 0 : i32
      %dma_start3A_245 = arith.constant 0 : i32
      %dma_start3A_246 = tpu.memref_slice %arg3[%dma_start3A, %dma_start3A_245] : memref<513x512xi32, #tpu.memory_space<hbm>> -> memref<513x512xi32, #tpu.memory_space<hbm>>
      tpu.enqueue_indirect_dma source(%dma_start3A_246 : memref<513x512xi32, #tpu.memory_space<hbm>>) target(%arg7 : memref<16x512xi32, #tpu.memory_space<vmem>>) offsets(%select_n3A_113 : vector<16xi32>) semaphore(%run_scoped3A_244 : memref<!tpu.dma_semaphore, #tpu.memory_space<semaphore_mem>>)
      %dma_wait3A = arith.constant 0 : i32
      %dma_wait3A_247 = arith.constant 0 : i32
      %dma_wait3A_248 = tpu.memref_slice %arg3[%dma_wait3A, %dma_wait3A_247] : memref<513x512xi32, #tpu.memory_space<hbm>> -> memref<513x512xi32, #tpu.memory_space<hbm>>
      tpu.wait_indirect_dma semaphore(%run_scoped3A_244 : memref<!tpu.dma_semaphore, #tpu.memory_space<semaphore_mem>>) src(%dma_wait3A_248 : memref<513x512xi32, #tpu.memory_space<hbm>>) dst(%arg7 : memref<16x512xi32, #tpu.memory_space<vmem>>)
      tpu.yield
    }) : () -> ()
    "tpu.region"() ({
      %run_scoped3A_244 = tpu.sem_alloc : memref<!tpu.dma_semaphore, #tpu.memory_space<semaphore_mem>>
      %dma_start3A = arith.constant 0 : i32
      %dma_start3A_245 = arith.constant 0 : i32
      %dma_start3A_246 = tpu.memref_slice %arg5[%dma_start3A, %dma_start3A_245] : memref<32768x512xi32, #tpu.memory_space<hbm>> -> memref<32768x512xi32, #tpu.memory_space<hbm>>
      tpu.enqueue_indirect_dma source(%arg7 : memref<16x512xi32, #tpu.memory_space<vmem>>) target(%dma_start3A_246 : memref<32768x512xi32, #tpu.memory_space<hbm>>) offsets(%shift_right_logical3A_107 : vector<16xi32>) semaphore(%run_scoped3A_244 : memref<!tpu.dma_semaphore, #tpu.memory_space<semaphore_mem>>)
      %dma_wait3A = arith.constant 0 : i32
      %dma_wait3A_247 = arith.constant 0 : i32
      %dma_wait3A_248 = tpu.memref_slice %arg5[%dma_wait3A, %dma_wait3A_247] : memref<32768x512xi32, #tpu.memory_space<hbm>> -> memref<32768x512xi32, #tpu.memory_space<hbm>>
      tpu.wait_indirect_dma semaphore(%run_scoped3A_244 : memref<!tpu.dma_semaphore, #tpu.memory_space<semaphore_mem>>) src(%arg7 : memref<16x512xi32, #tpu.memory_space<vmem>>) dst(%dma_wait3A_248 : memref<32768x512xi32, #tpu.memory_space<hbm>>)
      tpu.yield
    }) : () -> ()
    %get3A_114 = arith.constant 48 : index
    %get3A_115 = tpu.vector_load %arg6[%get3A_114] {strides = array<i32>} : memref<128xi32, #tpu.memory_space<vmem>>, vector<16xi32>,
    %get3A_116 = vector.shape_cast %get3A_115 : vector<16xi32> to vector<16xi32>
    %ge3A_117 = arith.constant 0 : i32
    %ge3A_118 = vector.broadcast %ge3A_117 : i32 to vector<16xi32>
    %ge3A_119 = arith.cmpi sge, %get3A_116, %ge3A_118 : vector<16xi32>
    %add3A_120 = arith.constant 48 : i32
    %add3A_121 = arith.addi %multiple_of3A, %add3A_120 : i32
    %add3A_122 = vector.broadcast %add3A_121 : i32 to vector<16xi32>
    %add3A_123 = arith.addi %add3A_122, %iota3A : vector<16xi32>
    %jit3A_124 = arith.constant 0 : i32
    %broadcast_in_dim3A_125 = vector.broadcast %jit3A_124 : i32 to vector<16xi32>
    %select_n3A_126 = arith.select %ge3A_119, %get3A_116, %broadcast_in_dim3A_125 : vector<16xi1>, vector<16xi32>
    %mul3A_127 = arith.constant 4096 : i32
    %mul3A_128 = vector.broadcast %mul3A_127 : i32 to vector<16xi32>
    %mul3A_129 = arith.muli %add3A_123, %mul3A_128 : vector<16xi32>
    %add3A_130 = arith.addi %mul3A_129, %select_n3A_126 : vector<16xi32>
    %shift_right_logical3A_131 = arith.constant 9 : i32
    %shift_right_logical3A_132 = vector.broadcast %shift_right_logical3A_131 : i32 to vector<16xi32>
    %shift_right_logical3A_133 = arith.shrui %add3A_130, %shift_right_logical3A_132 : vector<16xi32>
    %and3A_134 = arith.constant 511 : i32
    %and3A_135 = vector.broadcast %and3A_134 : i32 to vector<16xi32>
    %and3A_136 = arith.andi %get3A_116, %and3A_135 : vector<16xi32>
    %jit3A_137 = arith.constant 512 : i32
    %broadcast_in_dim3A_138 = vector.broadcast %jit3A_137 : i32 to vector<16xi32>
    %select_n3A_139 = arith.select %ge3A_119, %and3A_136, %broadcast_in_dim3A_138 : vector<16xi1>, vector<16xi32>
    "tpu.region"() ({
      %run_scoped3A_244 = tpu.sem_alloc : memref<!tpu.dma_semaphore, #tpu.memory_space<semaphore_mem>>
      %dma_start3A = arith.constant 0 : i32
      %dma_start3A_245 = arith.constant 0 : i32
      %dma_start3A_246 = tpu.memref_slice %arg3[%dma_start3A, %dma_start3A_245] : memref<513x512xi32, #tpu.memory_space<hbm>> -> memref<513x512xi32, #tpu.memory_space<hbm>>
      tpu.enqueue_indirect_dma source(%dma_start3A_246 : memref<513x512xi32, #tpu.memory_space<hbm>>) target(%arg7 : memref<16x512xi32, #tpu.memory_space<vmem>>) offsets(%select_n3A_139 : vector<16xi32>) semaphore(%run_scoped3A_244 : memref<!tpu.dma_semaphore, #tpu.memory_space<semaphore_mem>>)
      %dma_wait3A = arith.constant 0 : i32
      %dma_wait3A_247 = arith.constant 0 : i32
      %dma_wait3A_248 = tpu.memref_slice %arg3[%dma_wait3A, %dma_wait3A_247] : memref<513x512xi32, #tpu.memory_space<hbm>> -> memref<513x512xi32, #tpu.memory_space<hbm>>
      tpu.wait_indirect_dma semaphore(%run_scoped3A_244 : memref<!tpu.dma_semaphore, #tpu.memory_space<semaphore_mem>>) src(%dma_wait3A_248 : memref<513x512xi32, #tpu.memory_space<hbm>>) dst(%arg7 : memref<16x512xi32, #tpu.memory_space<vmem>>)
      tpu.yield
    }) : () -> ()
    "tpu.region"() ({
      %run_scoped3A_244 = tpu.sem_alloc : memref<!tpu.dma_semaphore, #tpu.memory_space<semaphore_mem>>
      %dma_start3A = arith.constant 0 : i32
      %dma_start3A_245 = arith.constant 0 : i32
      %dma_start3A_246 = tpu.memref_slice %arg5[%dma_start3A, %dma_start3A_245] : memref<32768x512xi32, #tpu.memory_space<hbm>> -> memref<32768x512xi32, #tpu.memory_space<hbm>>
      tpu.enqueue_indirect_dma source(%arg7 : memref<16x512xi32, #tpu.memory_space<vmem>>) target(%dma_start3A_246 : memref<32768x512xi32, #tpu.memory_space<hbm>>) offsets(%shift_right_logical3A_133 : vector<16xi32>) semaphore(%run_scoped3A_244 : memref<!tpu.dma_semaphore, #tpu.memory_space<semaphore_mem>>)
      %dma_wait3A = arith.constant 0 : i32
      %dma_wait3A_247 = arith.constant 0 : i32
      %dma_wait3A_248 = tpu.memref_slice %arg5[%dma_wait3A, %dma_wait3A_247] : memref<32768x512xi32, #tpu.memory_space<hbm>> -> memref<32768x512xi32, #tpu.memory_space<hbm>>
      tpu.wait_indirect_dma semaphore(%run_scoped3A_244 : memref<!tpu.dma_semaphore, #tpu.memory_space<semaphore_mem>>) src(%arg7 : memref<16x512xi32, #tpu.memory_space<vmem>>) dst(%dma_wait3A_248 : memref<32768x512xi32, #tpu.memory_space<hbm>>)
      tpu.yield
    }) : () -> ()
    %get3A_140 = arith.constant 64 : index
    %get3A_141 = tpu.vector_load %arg6[%get3A_140] {strides = array<i32>} : memref<128xi32, #tpu.memory_space<vmem>>, vector<16xi32>,
    %get3A_142 = vector.shape_cast %get3A_141 : vector<16xi32> to vector<16xi32>
    %ge3A_143 = arith.constant 0 : i32
    %ge3A_144 = vector.broadcast %ge3A_143 : i32 to vector<16xi32>
    %ge3A_145 = arith.cmpi sge, %get3A_142, %ge3A_144 : vector<16xi32>
    %add3A_146 = arith.constant 64 : i32
    %add3A_147 = arith.addi %multiple_of3A, %add3A_146 : i32
    %add3A_148 = vector.broadcast %add3A_147 : i32 to vector<16xi32>
    %add3A_149 = arith.addi %add3A_148, %iota3A : vector<16xi32>
    %jit3A_150 = arith.constant 0 : i32
    %broadcast_in_dim3A_151 = vector.broadcast %jit3A_150 : i32 to vector<16xi32>
    %select_n3A_152 = arith.select %ge3A_145, %get3A_142, %broadcast_in_dim3A_151 : vector<16xi1>, vector<16xi32>
    %mul3A_153 = arith.constant 4096 : i32
    %mul3A_154 = vector.broadcast %mul3A_153 : i32 to vector<16xi32>
    %mul3A_155 = arith.muli %add3A_149, %mul3A_154 : vector<16xi32>
    %add3A_156 = arith.addi %mul3A_155, %select_n3A_152 : vector<16xi32>
    %shift_right_logical3A_157 = arith.constant 9 : i32
    %shift_right_logical3A_158 = vector.broadcast %shift_right_logical3A_157 : i32 to vector<16xi32>
    %shift_right_logical3A_159 = arith.shrui %add3A_156, %shift_right_logical3A_158 : vector<16xi32>
    %and3A_160 = arith.constant 511 : i32
    %and3A_161 = vector.broadcast %and3A_160 : i32 to vector<16xi32>
    %and3A_162 = arith.andi %get3A_142, %and3A_161 : vector<16xi32>
    %jit3A_163 = arith.constant 512 : i32
    %broadcast_in_dim3A_164 = vector.broadcast %jit3A_163 : i32 to vector<16xi32>
    %select_n3A_165 = arith.select %ge3A_145, %and3A_162, %broadcast_in_dim3A_164 : vector<16xi1>, vector<16xi32>
    "tpu.region"() ({
      %run_scoped3A_244 = tpu.sem_alloc : memref<!tpu.dma_semaphore, #tpu.memory_space<semaphore_mem>>
      %dma_start3A = arith.constant 0 : i32
      %dma_start3A_245 = arith.constant 0 : i32
      %dma_start3A_246 = tpu.memref_slice %arg3[%dma_start3A, %dma_start3A_245] : memref<513x512xi32, #tpu.memory_space<hbm>> -> memref<513x512xi32, #tpu.memory_space<hbm>>
      tpu.enqueue_indirect_dma source(%dma_start3A_246 : memref<513x512xi32, #tpu.memory_space<hbm>>) target(%arg7 : memref<16x512xi32, #tpu.memory_space<vmem>>) offsets(%select_n3A_165 : vector<16xi32>) semaphore(%run_scoped3A_244 : memref<!tpu.dma_semaphore, #tpu.memory_space<semaphore_mem>>)
      %dma_wait3A = arith.constant 0 : i32
      %dma_wait3A_247 = arith.constant 0 : i32
      %dma_wait3A_248 = tpu.memref_slice %arg3[%dma_wait3A, %dma_wait3A_247] : memref<513x512xi32, #tpu.memory_space<hbm>> -> memref<513x512xi32, #tpu.memory_space<hbm>>
      tpu.wait_indirect_dma semaphore(%run_scoped3A_244 : memref<!tpu.dma_semaphore, #tpu.memory_space<semaphore_mem>>) src(%dma_wait3A_248 : memref<513x512xi32, #tpu.memory_space<hbm>>) dst(%arg7 : memref<16x512xi32, #tpu.memory_space<vmem>>)
      tpu.yield
    }) : () -> ()
    "tpu.region"() ({
      %run_scoped3A_244 = tpu.sem_alloc : memref<!tpu.dma_semaphore, #tpu.memory_space<semaphore_mem>>
      %dma_start3A = arith.constant 0 : i32
      %dma_start3A_245 = arith.constant 0 : i32
      %dma_start3A_246 = tpu.memref_slice %arg5[%dma_start3A, %dma_start3A_245] : memref<32768x512xi32, #tpu.memory_space<hbm>> -> memref<32768x512xi32, #tpu.memory_space<hbm>>
      tpu.enqueue_indirect_dma source(%arg7 : memref<16x512xi32, #tpu.memory_space<vmem>>) target(%dma_start3A_246 : memref<32768x512xi32, #tpu.memory_space<hbm>>) offsets(%shift_right_logical3A_159 : vector<16xi32>) semaphore(%run_scoped3A_244 : memref<!tpu.dma_semaphore, #tpu.memory_space<semaphore_mem>>)
      %dma_wait3A = arith.constant 0 : i32
      %dma_wait3A_247 = arith.constant 0 : i32
      %dma_wait3A_248 = tpu.memref_slice %arg5[%dma_wait3A, %dma_wait3A_247] : memref<32768x512xi32, #tpu.memory_space<hbm>> -> memref<32768x512xi32, #tpu.memory_space<hbm>>
      tpu.wait_indirect_dma semaphore(%run_scoped3A_244 : memref<!tpu.dma_semaphore, #tpu.memory_space<semaphore_mem>>) src(%arg7 : memref<16x512xi32, #tpu.memory_space<vmem>>) dst(%dma_wait3A_248 : memref<32768x512xi32, #tpu.memory_space<hbm>>)
      tpu.yield
    }) : () -> ()
    %get3A_166 = arith.constant 80 : index
    %get3A_167 = tpu.vector_load %arg6[%get3A_166] {strides = array<i32>} : memref<128xi32, #tpu.memory_space<vmem>>, vector<16xi32>,
    %get3A_168 = vector.shape_cast %get3A_167 : vector<16xi32> to vector<16xi32>
    %ge3A_169 = arith.constant 0 : i32
    %ge3A_170 = vector.broadcast %ge3A_169 : i32 to vector<16xi32>
    %ge3A_171 = arith.cmpi sge, %get3A_168, %ge3A_170 : vector<16xi32>
    %add3A_172 = arith.constant 80 : i32
    %add3A_173 = arith.addi %multiple_of3A, %add3A_172 : i32
    %add3A_174 = vector.broadcast %add3A_173 : i32 to vector<16xi32>
    %add3A_175 = arith.addi %add3A_174, %iota3A : vector<16xi32>
    %jit3A_176 = arith.constant 0 : i32
    %broadcast_in_dim3A_177 = vector.broadcast %jit3A_176 : i32 to vector<16xi32>
    %select_n3A_178 = arith.select %ge3A_171, %get3A_168, %broadcast_in_dim3A_177 : vector<16xi1>, vector<16xi32>
    %mul3A_179 = arith.constant 4096 : i32
    %mul3A_180 = vector.broadcast %mul3A_179 : i32 to vector<16xi32>
    %mul3A_181 = arith.muli %add3A_175, %mul3A_180 : vector<16xi32>
    %add3A_182 = arith.addi %mul3A_181, %select_n3A_178 : vector<16xi32>
    %shift_right_logical3A_183 = arith.constant 9 : i32
    %shift_right_logical3A_184 = vector.broadcast %shift_right_logical3A_183 : i32 to vector<16xi32>
    %shift_right_logical3A_185 = arith.shrui %add3A_182, %shift_right_logical3A_184 : vector<16xi32>
    %and3A_186 = arith.constant 511 : i32
    %and3A_187 = vector.broadcast %and3A_186 : i32 to vector<16xi32>
    %and3A_188 = arith.andi %get3A_168, %and3A_187 : vector<16xi32>
    %jit3A_189 = arith.constant 512 : i32
    %broadcast_in_dim3A_190 = vector.broadcast %jit3A_189 : i32 to vector<16xi32>
    %select_n3A_191 = arith.select %ge3A_171, %and3A_188, %broadcast_in_dim3A_190 : vector<16xi1>, vector<16xi32>
    "tpu.region"() ({
      %run_scoped3A_244 = tpu.sem_alloc : memref<!tpu.dma_semaphore, #tpu.memory_space<semaphore_mem>>
      %dma_start3A = arith.constant 0 : i32
      %dma_start3A_245 = arith.constant 0 : i32
      %dma_start3A_246 = tpu.memref_slice %arg3[%dma_start3A, %dma_start3A_245] : memref<513x512xi32, #tpu.memory_space<hbm>> -> memref<513x512xi32, #tpu.memory_space<hbm>>
      tpu.enqueue_indirect_dma source(%dma_start3A_246 : memref<513x512xi32, #tpu.memory_space<hbm>>) target(%arg7 : memref<16x512xi32, #tpu.memory_space<vmem>>) offsets(%select_n3A_191 : vector<16xi32>) semaphore(%run_scoped3A_244 : memref<!tpu.dma_semaphore, #tpu.memory_space<semaphore_mem>>)
      %dma_wait3A = arith.constant 0 : i32
      %dma_wait3A_247 = arith.constant 0 : i32
      %dma_wait3A_248 = tpu.memref_slice %arg3[%dma_wait3A, %dma_wait3A_247] : memref<513x512xi32, #tpu.memory_space<hbm>> -> memref<513x512xi32, #tpu.memory_space<hbm>>
      tpu.wait_indirect_dma semaphore(%run_scoped3A_244 : memref<!tpu.dma_semaphore, #tpu.memory_space<semaphore_mem>>) src(%dma_wait3A_248 : memref<513x512xi32, #tpu.memory_space<hbm>>) dst(%arg7 : memref<16x512xi32, #tpu.memory_space<vmem>>)
      tpu.yield
    }) : () -> ()
    "tpu.region"() ({
      %run_scoped3A_244 = tpu.sem_alloc : memref<!tpu.dma_semaphore, #tpu.memory_space<semaphore_mem>>
      %dma_start3A = arith.constant 0 : i32
      %dma_start3A_245 = arith.constant 0 : i32
      %dma_start3A_246 = tpu.memref_slice %arg5[%dma_start3A, %dma_start3A_245] : memref<32768x512xi32, #tpu.memory_space<hbm>> -> memref<32768x512xi32, #tpu.memory_space<hbm>>
      tpu.enqueue_indirect_dma source(%arg7 : memref<16x512xi32, #tpu.memory_space<vmem>>) target(%dma_start3A_246 : memref<32768x512xi32, #tpu.memory_space<hbm>>) offsets(%shift_right_logical3A_185 : vector<16xi32>) semaphore(%run_scoped3A_244 : memref<!tpu.dma_semaphore, #tpu.memory_space<semaphore_mem>>)
      %dma_wait3A = arith.constant 0 : i32
      %dma_wait3A_247 = arith.constant 0 : i32
      %dma_wait3A_248 = tpu.memref_slice %arg5[%dma_wait3A, %dma_wait3A_247] : memref<32768x512xi32, #tpu.memory_space<hbm>> -> memref<32768x512xi32, #tpu.memory_space<hbm>>
      tpu.wait_indirect_dma semaphore(%run_scoped3A_244 : memref<!tpu.dma_semaphore, #tpu.memory_space<semaphore_mem>>) src(%arg7 : memref<16x512xi32, #tpu.memory_space<vmem>>) dst(%dma_wait3A_248 : memref<32768x512xi32, #tpu.memory_space<hbm>>)
      tpu.yield
    }) : () -> ()
    %get3A_192 = arith.constant 96 : index
    %get3A_193 = tpu.vector_load %arg6[%get3A_192] {strides = array<i32>} : memref<128xi32, #tpu.memory_space<vmem>>, vector<16xi32>,
    %get3A_194 = vector.shape_cast %get3A_193 : vector<16xi32> to vector<16xi32>
    %ge3A_195 = arith.constant 0 : i32
    %ge3A_196 = vector.broadcast %ge3A_195 : i32 to vector<16xi32>
    %ge3A_197 = arith.cmpi sge, %get3A_194, %ge3A_196 : vector<16xi32>
    %add3A_198 = arith.constant 96 : i32
    %add3A_199 = arith.addi %multiple_of3A, %add3A_198 : i32
    %add3A_200 = vector.broadcast %add3A_199 : i32 to vector<16xi32>
    %add3A_201 = arith.addi %add3A_200, %iota3A : vector<16xi32>
    %jit3A_202 = arith.constant 0 : i32
    %broadcast_in_dim3A_203 = vector.broadcast %jit3A_202 : i32 to vector<16xi32>
    %select_n3A_204 = arith.select %ge3A_197, %get3A_194, %broadcast_in_dim3A_203 : vector<16xi1>, vector<16xi32>
    %mul3A_205 = arith.constant 4096 : i32
    %mul3A_206 = vector.broadcast %mul3A_205 : i32 to vector<16xi32>
    %mul3A_207 = arith.muli %add3A_201, %mul3A_206 : vector<16xi32>
    %add3A_208 = arith.addi %mul3A_207, %select_n3A_204 : vector<16xi32>
    %shift_right_logical3A_209 = arith.constant 9 : i32
    %shift_right_logical3A_210 = vector.broadcast %shift_right_logical3A_209 : i32 to vector<16xi32>
    %shift_right_logical3A_211 = arith.shrui %add3A_208, %shift_right_logical3A_210 : vector<16xi32>
    %and3A_212 = arith.constant 511 : i32
    %and3A_213 = vector.broadcast %and3A_212 : i32 to vector<16xi32>
    %and3A_214 = arith.andi %get3A_194, %and3A_213 : vector<16xi32>
    %jit3A_215 = arith.constant 512 : i32
    %broadcast_in_dim3A_216 = vector.broadcast %jit3A_215 : i32 to vector<16xi32>
    %select_n3A_217 = arith.select %ge3A_197, %and3A_214, %broadcast_in_dim3A_216 : vector<16xi1>, vector<16xi32>
    "tpu.region"() ({
      %run_scoped3A_244 = tpu.sem_alloc : memref<!tpu.dma_semaphore, #tpu.memory_space<semaphore_mem>>
      %dma_start3A = arith.constant 0 : i32
      %dma_start3A_245 = arith.constant 0 : i32
      %dma_start3A_246 = tpu.memref_slice %arg3[%dma_start3A, %dma_start3A_245] : memref<513x512xi32, #tpu.memory_space<hbm>> -> memref<513x512xi32, #tpu.memory_space<hbm>>
      tpu.enqueue_indirect_dma source(%dma_start3A_246 : memref<513x512xi32, #tpu.memory_space<hbm>>) target(%arg7 : memref<16x512xi32, #tpu.memory_space<vmem>>) offsets(%select_n3A_217 : vector<16xi32>) semaphore(%run_scoped3A_244 : memref<!tpu.dma_semaphore, #tpu.memory_space<semaphore_mem>>)
      %dma_wait3A = arith.constant 0 : i32
      %dma_wait3A_247 = arith.constant 0 : i32
      %dma_wait3A_248 = tpu.memref_slice %arg3[%dma_wait3A, %dma_wait3A_247] : memref<513x512xi32, #tpu.memory_space<hbm>> -> memref<513x512xi32, #tpu.memory_space<hbm>>
      tpu.wait_indirect_dma semaphore(%run_scoped3A_244 : memref<!tpu.dma_semaphore, #tpu.memory_space<semaphore_mem>>) src(%dma_wait3A_248 : memref<513x512xi32, #tpu.memory_space<hbm>>) dst(%arg7 : memref<16x512xi32, #tpu.memory_space<vmem>>)
      tpu.yield
    }) : () -> ()
    "tpu.region"() ({
      %run_scoped3A_244 = tpu.sem_alloc : memref<!tpu.dma_semaphore, #tpu.memory_space<semaphore_mem>>
      %dma_start3A = arith.constant 0 : i32
      %dma_start3A_245 = arith.constant 0 : i32
      %dma_start3A_246 = tpu.memref_slice %arg5[%dma_start3A, %dma_start3A_245] : memref<32768x512xi32, #tpu.memory_space<hbm>> -> memref<32768x512xi32, #tpu.memory_space<hbm>>
      tpu.enqueue_indirect_dma source(%arg7 : memref<16x512xi32, #tpu.memory_space<vmem>>) target(%dma_start3A_246 : memref<32768x512xi32, #tpu.memory_space<hbm>>) offsets(%shift_right_logical3A_211 : vector<16xi32>) semaphore(%run_scoped3A_244 : memref<!tpu.dma_semaphore, #tpu.memory_space<semaphore_mem>>)
      %dma_wait3A = arith.constant 0 : i32
      %dma_wait3A_247 = arith.constant 0 : i32
      %dma_wait3A_248 = tpu.memref_slice %arg5[%dma_wait3A, %dma_wait3A_247] : memref<32768x512xi32, #tpu.memory_space<hbm>> -> memref<32768x512xi32, #tpu.memory_space<hbm>>
      tpu.wait_indirect_dma semaphore(%run_scoped3A_244 : memref<!tpu.dma_semaphore, #tpu.memory_space<semaphore_mem>>) src(%arg7 : memref<16x512xi32, #tpu.memory_space<vmem>>) dst(%dma_wait3A_248 : memref<32768x512xi32, #tpu.memory_space<hbm>>)
      tpu.yield
    }) : () -> ()
    %get3A_218 = arith.constant 112 : index
    %get3A_219 = tpu.vector_load %arg6[%get3A_218] {strides = array<i32>} : memref<128xi32, #tpu.memory_space<vmem>>, vector<16xi32>,
    %get3A_220 = vector.shape_cast %get3A_219 : vector<16xi32> to vector<16xi32>
    %ge3A_221 = arith.constant 0 : i32
    %ge3A_222 = vector.broadcast %ge3A_221 : i32 to vector<16xi32>
    %ge3A_223 = arith.cmpi sge, %get3A_220, %ge3A_222 : vector<16xi32>
    %add3A_224 = arith.constant 112 : i32
    %add3A_225 = arith.addi %multiple_of3A, %add3A_224 : i32
    %add3A_226 = vector.broadcast %add3A_225 : i32 to vector<16xi32>
    %add3A_227 = arith.addi %add3A_226, %iota3A : vector<16xi32>
    %jit3A_228 = arith.constant 0 : i32
    %broadcast_in_dim3A_229 = vector.broadcast %jit3A_228 : i32 to vector<16xi32>
    %select_n3A_230 = arith.select %ge3A_223, %get3A_220, %broadcast_in_dim3A_229 : vector<16xi1>, vector<16xi32>
    %mul3A_231 = arith.constant 4096 : i32
    %mul3A_232 = vector.broadcast %mul3A_231 : i32 to vector<16xi32>
    %mul3A_233 = arith.muli %add3A_227, %mul3A_232 : vector<16xi32>
    %add3A_234 = arith.addi %mul3A_233, %select_n3A_230 : vector<16xi32>
    %shift_right_logical3A_235 = arith.constant 9 : i32
    %shift_right_logical3A_236 = vector.broadcast %shift_right_logical3A_235 : i32 to vector<16xi32>
    %shift_right_logical3A_237 = arith.shrui %add3A_234, %shift_right_logical3A_236 : vector<16xi32>
    %and3A_238 = arith.constant 511 : i32
    %and3A_239 = vector.broadcast %and3A_238 : i32 to vector<16xi32>
    %and3A_240 = arith.andi %get3A_220, %and3A_239 : vector<16xi32>
    %jit3A_241 = arith.constant 512 : i32
    %broadcast_in_dim3A_242 = vector.broadcast %jit3A_241 : i32 to vector<16xi32>
    %select_n3A_243 = arith.select %ge3A_223, %and3A_240, %broadcast_in_dim3A_242 : vector<16xi1>, vector<16xi32>
    "tpu.region"() ({
      %run_scoped3A_244 = tpu.sem_alloc : memref<!tpu.dma_semaphore, #tpu.memory_space<semaphore_mem>>
      %dma_start3A = arith.constant 0 : i32
      %dma_start3A_245 = arith.constant 0 : i32
      %dma_start3A_246 = tpu.memref_slice %arg3[%dma_start3A, %dma_start3A_245] : memref<513x512xi32, #tpu.memory_space<hbm>> -> memref<513x512xi32, #tpu.memory_space<hbm>>
      tpu.enqueue_indirect_dma source(%dma_start3A_246 : memref<513x512xi32, #tpu.memory_space<hbm>>) target(%arg7 : memref<16x512xi32, #tpu.memory_space<vmem>>) offsets(%select_n3A_243 : vector<16xi32>) semaphore(%run_scoped3A_244 : memref<!tpu.dma_semaphore, #tpu.memory_space<semaphore_mem>>)
      %dma_wait3A = arith.constant 0 : i32
      %dma_wait3A_247 = arith.constant 0 : i32
      %dma_wait3A_248 = tpu.memref_slice %arg3[%dma_wait3A, %dma_wait3A_247] : memref<513x512xi32, #tpu.memory_space<hbm>> -> memref<513x512xi32, #tpu.memory_space<hbm>>
      tpu.wait_indirect_dma semaphore(%run_scoped3A_244 : memref<!tpu.dma_semaphore, #tpu.memory_space<semaphore_mem>>) src(%dma_wait3A_248 : memref<513x512xi32, #tpu.memory_space<hbm>>) dst(%arg7 : memref<16x512xi32, #tpu.memory_space<vmem>>)
      tpu.yield
    }) : () -> ()
    "tpu.region"() ({
      %run_scoped3A_244 = tpu.sem_alloc : memref<!tpu.dma_semaphore, #tpu.memory_space<semaphore_mem>>
      %dma_start3A = arith.constant 0 : i32
      %dma_start3A_245 = arith.constant 0 : i32
      %dma_start3A_246 = tpu.memref_slice %arg5[%dma_start3A, %dma_start3A_245] : memref<32768x512xi32, #tpu.memory_space<hbm>> -> memref<32768x512xi32, #tpu.memory_space<hbm>>
      tpu.enqueue_indirect_dma source(%arg7 : memref<16x512xi32, #tpu.memory_space<vmem>>) target(%dma_start3A_246 : memref<32768x512xi32, #tpu.memory_space<hbm>>) offsets(%shift_right_logical3A_237 : vector<16xi32>) semaphore(%run_scoped3A_244 : memref<!tpu.dma_semaphore, #tpu.memory_space<semaphore_mem>>)
      %dma_wait3A = arith.constant 0 : i32
      %dma_wait3A_247 = arith.constant 0 : i32
      %dma_wait3A_248 = tpu.memref_slice %arg5[%dma_wait3A, %dma_wait3A_247] : memref<32768x512xi32, #tpu.memory_space<hbm>> -> memref<32768x512xi32, #tpu.memory_space<hbm>>
      tpu.wait_indirect_dma semaphore(%run_scoped3A_244 : memref<!tpu.dma_semaphore, #tpu.memory_space<semaphore_mem>>) src(%arg7 : memref<16x512xi32, #tpu.memory_space<vmem>>) dst(%dma_wait3A_248 : memref<32768x512xi32, #tpu.memory_space<hbm>>)
      tpu.yield
    }) : () -> ()
    return
  }
}

module attributes {stable_mosaic.version = 14 : i64} {
  func.func @_router_body(%arg0: i32, %arg1: memref<1024x1024xf32, #tpu.memory_space<vmem>>, %arg2: memref<8x1024xf32, #tpu.memory_space<vmem>>, %arg3: memref<8x128xi32, #tpu.memory_space<vmem>>, %arg4: memref<1x4096xi32, #tpu.memory_space<vmem>>, %arg5: memref<8x128xi32, #tpu.memory_space<vmem>>) attributes {dimension_semantics = [#tpu.dimension_semantics<arbitrary>], iteration_bounds = array<i64: 4>, scalar_prefetch = 0 : i64, scratch_operands = 1 : i64, tpu.core_type = #tpu.core_type<tc>, window_params = [{transform_indices = @transform_0, window_bounds = array<i64: 1024, 1024>}, {pipeline_mode = #tpu.pipeline_mode<synchronous>, transform_indices = @transform_1, window_bounds = array<i64: 8, 1024>}, {pipeline_mode = #tpu.pipeline_mode<synchronous>, transform_indices = @transform_2, window_bounds = array<i64: 8, 128>}, {pipeline_mode = #tpu.pipeline_mode<synchronous>, transform_indices = @transform_3, window_bounds = array<i64: 1, 4096>}]} {
    %eq3A = arith.constant 0 : i32
    %eq3A_0 = arith.cmpi eq, %arg0, %eq3A : i32
    %convert_element_type3A = arith.extui %eq3A_0 : i1 to i32
    %cond3A = arith.constant 0 : i32
    %cond3A_1 = arith.cmpi ne, %convert_element_type3A, %cond3A : i32
    scf.if %cond3A_1 {
      %broadcast_in_dim3A_67 = arith.constant 0 : i32
      %broadcast_in_dim3A_68 = vector.broadcast %broadcast_in_dim3A_67 : i32 to vector<8x128xi32>
      %swap3A_69 = arith.constant 0 : index
      %swap3A_70 = arith.constant 0 : index
      %swap3A_71 = vector.load %arg5[%swap3A_69, %swap3A_70] : memref<8x128xi32, #tpu.memory_space<vmem>>, vector<8x128xi32>
      tpu.vector_store %arg5[%swap3A_69, %swap3A_70], %broadcast_in_dim3A_68 {strides = array<i32>} : memref<8x128xi32, #tpu.memory_space<vmem>>, vector<8x128xi32>,
    } else {
    }
    %get3A = arith.constant 0 : index
    %get3A_2 = arith.constant 0 : index
    %get3A_3 = vector.load %arg2[%get3A, %get3A_2] : memref<8x1024xf32, #tpu.memory_space<vmem>>, vector<8x1024xf32>
    %get3A_4 = arith.constant 0 : index
    %get3A_5 = arith.constant 0 : index
    %get3A_6 = vector.load %arg1[%get3A_4, %get3A_5] : memref<1024x1024xf32, #tpu.memory_space<vmem>>, vector<1024x1024xf32>
    %dot_general3A = arith.constant dense<0.000000e+00> : vector<8x1024xf32>
    %dot_general3A_7 = tpu.matmul %get3A_3, %get3A_6, %dot_general3A {dimension_numbers = #tpu.dot_dimension_numbers<[1], [1], [0], [0], [0, 0, 1, 0], [], []>, transpose_lhs_hint = false} : vector<8x1024xf32>, vector<1024x1024xf32>, vector<8x1024xf32> -> vector<8x1024xf32>
    %reduce_max3A = arith.constant dense<0xFF800000> : vector<1024xf32>
    %reduce_max3A_8 = vector.multi_reduction <maximumf>, %dot_general3A_7, %reduce_max3A [0] : vector<8x1024xf32> to vector<1024xf32>
    %broadcast_in_dim3A = vector.shape_cast %reduce_max3A_8 : vector<1024xf32> to vector<1x1024xf32>
    %iota3A = tpu.iota {dimensions = array<i32: 0>} : vector<8x1024xi32>
    %ge3A = vector.broadcast %broadcast_in_dim3A : vector<1x1024xf32> to vector<8x1024xf32>
    %ge3A_9 = arith.cmpf oge, %dot_general3A_7, %ge3A : vector<8x1024xf32>
    %jit3A = arith.constant 8 : i32
    %broadcast_in_dim3A_10 = vector.broadcast %jit3A : i32 to vector<8x1024xi32>
    %select_n3A = arith.select %ge3A_9, %iota3A, %broadcast_in_dim3A_10 : vector<8x1024xi1>, vector<8x1024xi32>
    %reduce_min3A = arith.constant dense<2147483647> : vector<1024xi32>
    %reduce_min3A_11 = vector.multi_reduction <minsi>, %select_n3A, %reduce_min3A [0] : vector<8x1024xi32> to vector<1024xi32>
    %broadcast_in_dim3A_12 = vector.shape_cast %reduce_min3A_11 : vector<1024xi32> to vector<1x1024xi32>
    %eq3A_13 = vector.broadcast %broadcast_in_dim3A_12 : vector<1x1024xi32> to vector<8x1024xi32>
    %eq3A_14 = arith.cmpi eq, %iota3A, %eq3A_13 : vector<8x1024xi32>
    %convert_element_type3A_15 = arith.extui %eq3A_14 : vector<8x1024xi1> to vector<8x1024xi32>
    %convert_element_type3A_16 = arith.sitofp %convert_element_type3A_15 : vector<8x1024xi32> to vector<8x1024xf32>
    %iota3A_17 = tpu.iota {dimensions = array<i32: 0>} : vector<1024x1024xi32>
    %iota3A_18 = tpu.iota {dimensions = array<i32: 1>} : vector<1024x1024xi32>
    %lt3A = arith.cmpi slt, %iota3A_17, %iota3A_18 : vector<1024x1024xi32>
    %convert_element_type3A_19 = arith.extui %lt3A : vector<1024x1024xi1> to vector<1024x1024xi32>
    %convert_element_type3A_20 = arith.sitofp %convert_element_type3A_19 : vector<1024x1024xi32> to vector<1024x1024xf32>
    %dot_general3A_21 = arith.constant dense<0.000000e+00> : vector<8x1024xf32>
    %dot_general3A_22 = tpu.matmul %convert_element_type3A_16, %convert_element_type3A_20, %dot_general3A_21 {dimension_numbers = #tpu.dot_dimension_numbers<[1], [0], [0], [1], [0, 0, 1, 1], [], []>, transpose_lhs_hint = false} : vector<8x1024xf32>, vector<1024x1024xf32>, vector<8x1024xf32> -> vector<8x1024xf32>
    %get3A_23 = arith.constant 0 : index
    %get3A_24 = arith.constant 0 : index
    %get3A_25 = vector.load %arg5[%get3A_23, %get3A_24] : memref<8x128xi32, #tpu.memory_space<vmem>>, vector<8x1xi32>
    %convert_element_type3A_26 = arith.fptosi %dot_general3A_22 : vector<8x1024xf32> to vector<8x1024xi32>
    %add3A = vector.broadcast %get3A_25 : vector<8x1xi32> to vector<8x1024xi32>
    %add3A_27 = arith.addi %convert_element_type3A_26, %add3A : vector<8x1024xi32>
    %eq3A_28 = vector.broadcast %broadcast_in_dim3A_12 : vector<1x1024xi32> to vector<8x1024xi32>
    %eq3A_29 = arith.cmpi eq, %iota3A, %eq3A_28 : vector<8x1024xi32>
    %jit3A_30 = arith.constant 0 : i32
    %broadcast_in_dim3A_31 = vector.broadcast %jit3A_30 : i32 to vector<8x1024xi32>
    %select_n3A_32 = arith.select %eq3A_29, %add3A_27, %broadcast_in_dim3A_31 : vector<8x1024xi1>, vector<8x1024xi32>
    %reduce_sum3A = arith.constant dense<0> : vector<1024xi32>
    %reduce_sum3A_33 = vector.multi_reduction <add>, %select_n3A_32, %reduce_sum3A [0] : vector<8x1024xi32> to vector<1024xi32>
    %broadcast_in_dim3A_34 = vector.shape_cast %reduce_sum3A_33 : vector<1024xi32> to vector<1x1024xi32>
    %reduce_sum3A_35 = arith.constant dense<0.000000e+00> : vector<8xf32>
    %reduce_sum3A_36 = vector.multi_reduction <add>, %convert_element_type3A_16, %reduce_sum3A_35 [1] : vector<8x1024xf32> to vector<8xf32>
    %broadcast_in_dim3A_37 = vector.shape_cast %reduce_sum3A_36 : vector<8xf32> to vector<8x1xf32>
    %convert_element_type3A_38 = arith.fptosi %broadcast_in_dim3A_37 : vector<8x1xf32> to vector<8x1xi32>
    %add3A_39 = arith.addi %get3A_25, %convert_element_type3A_38 : vector<8x1xi32>
    %broadcast_in_dim3A_40 = vector.shape_cast %add3A_39 : vector<8x1xi32> to vector<8x1xi32>
    %broadcast_in_dim3A_41 = vector.broadcast %broadcast_in_dim3A_40 : vector<8x1xi32> to vector<8x128xi32>
    %swap3A = arith.constant 0 : index
    %swap3A_42 = arith.constant 0 : index
    %swap3A_43 = vector.load %arg5[%swap3A, %swap3A_42] : memref<8x128xi32, #tpu.memory_space<vmem>>, vector<8x128xi32>
    tpu.vector_store %arg5[%swap3A, %swap3A_42], %broadcast_in_dim3A_41 {strides = array<i32>} : memref<8x128xi32, #tpu.memory_space<vmem>>, vector<8x128xi32>,
    %min3A = arith.constant 512 : i32
    %min3A_44 = vector.broadcast %min3A : i32 to vector<8x1xi32>
    %min3A_45 = arith.minsi %add3A_39, %min3A_44 : vector<8x1xi32>
    %broadcast_in_dim3A_46 = vector.shape_cast %min3A_45 : vector<8x1xi32> to vector<8x1xi32>
    %broadcast_in_dim3A_47 = vector.broadcast %broadcast_in_dim3A_46 : vector<8x1xi32> to vector<8x128xi32>
    %swap3A_48 = arith.constant 0 : index
    %swap3A_49 = arith.constant 0 : index
    %swap3A_50 = vector.load %arg3[%swap3A_48, %swap3A_49] : memref<8x128xi32, #tpu.memory_space<vmem>>, vector<8x128xi32>
    tpu.vector_store %arg3[%swap3A_48, %swap3A_49], %broadcast_in_dim3A_47 {strides = array<i32>} : memref<8x128xi32, #tpu.memory_space<vmem>>, vector<8x128xi32>,
    %ge3A_51 = arith.constant 512 : i32
    %ge3A_52 = vector.broadcast %ge3A_51 : i32 to vector<1x1024xi32>
    %ge3A_53 = arith.cmpi sge, %broadcast_in_dim3A_34, %ge3A_52 : vector<1x1024xi32>
    %mul3A = arith.constant 512 : i32
    %mul3A_54 = vector.broadcast %mul3A : i32 to vector<1x1024xi32>
    %mul3A_55 = arith.muli %broadcast_in_dim3A_12, %mul3A_54 : vector<1x1024xi32>
    %add3A_56 = arith.addi %mul3A_55, %broadcast_in_dim3A_34 : vector<1x1024xi32>
    %jit3A_57 = arith.constant -1 : i32
    %broadcast_in_dim3A_58 = vector.broadcast %jit3A_57 : i32 to vector<1x1024xi32>
    %select_n3A_59 = arith.select %ge3A_53, %broadcast_in_dim3A_58, %add3A_56 : vector<1x1024xi1>, vector<1x1024xi32>
    %squeeze3A = vector.shape_cast %select_n3A_59 : vector<1x1024xi32> to vector<1024xi32>
    %mul3A_60 = arith.constant 1024 : i32
    %mul3A_61 = arith.muli %arg0, %mul3A_60 : i32
    %swap3A_62 = arith.constant 0 : index
    %swap3A_63 = arith.index_cast %mul3A_61 : i32 to index
    %swap3A_64 = vector.load %arg4[%swap3A_62, %swap3A_63] : memref<1x4096xi32, #tpu.memory_space<vmem>>, vector<1x1024xi32>
    %swap3A_65 = vector.shape_cast %swap3A_64 : vector<1x1024xi32> to vector<1024xi32>
    %swap3A_66 = vector.shape_cast %squeeze3A : vector<1024xi32> to vector<1x1024xi32>
    tpu.vector_store %arg4[%swap3A_62, %swap3A_63], %swap3A_66 {strides = array<i32>} : memref<1x4096xi32, #tpu.memory_space<vmem>>, vector<1x1024xi32>,
    return
  }
  func.func @transform_0(%arg0: i32) -> (i32, i32) {
    %c0_i32 = arith.constant 0 : i32
    %c0_i32_0 = arith.constant 0 : i32
    return %arg0, %c0_i32 : i32, i32
  }
  func.func @transform_1(%arg0: i32) -> (i32, i32) {
    %c0_i32 = arith.constant 0 : i32
    %c0_i32_0 = arith.constant 0 : i32
    %c0_i32_1 = arith.constant 0 : i32
    return %c0_i32, %c0_i32_0 : i32, i32
  }
  func.func @transform_2(%arg0: i32) -> (i32, i32) {
    %c0_i32 = arith.constant 0 : i32
    %c0_i32_0 = arith.constant 0 : i32
    %c0_i32_1 = arith.constant 0 : i32
    return %c0_i32, %c0_i32_0 : i32, i32
  }
  func.func @transform_3(%arg0: i32) -> (i32, i32) {
    %c0_i32 = arith.constant 0 : i32
    %c0_i32_0 = arith.constant 0 : i32
    %c0_i32_1 = arith.constant 0 : i32
    return %c0_i32, %c0_i32_0 : i32, i32
  }
}

module attributes {stable_mosaic.version = 14 : i64} {
  func.func @_cb_tc_body(%arg0: i32, %arg1: memref<1x4096xi32, #tpu.memory_space<vmem>>, %arg2: memref<256x4096xf32, #tpu.memory_space<vmem>>) attributes {dimension_semantics = [#tpu.dimension_semantics<parallel>], iteration_bounds = array<i64: 16>, scalar_prefetch = 0 : i64, scratch_operands = 0 : i64, tpu.core_type = #tpu.core_type<tc>, window_params = [{pipeline_mode = #tpu.pipeline_mode<synchronous>, transform_indices = @transform_0, window_bounds = array<i64: 1, 4096>}, {transform_indices = @transform_1, window_bounds = array<i64: 256, 4096>}]} {
    %mul3A = arith.constant 256 : i32
    %mul3A_0 = arith.muli %arg0, %mul3A : i32
    %get3A = arith.constant 0 : index
    %get3A_1 = arith.index_cast %mul3A_0 : i32 to index
    %get3A_2 = vector.load %arg1[%get3A, %get3A_1] : memref<1x4096xi32, #tpu.memory_space<vmem>>, vector<1x256xi32>
    %get3A_3 = vector.shape_cast %get3A_2 : vector<1x256xi32> to vector<256xi32>
    %reshape3A = vector.shape_cast %get3A_3 : vector<256xi32> to vector<1x256xi32>
    %convert_element_type3A = arith.sitofp %reshape3A : vector<1x256xi32> to vector<1x256xf32>
    %iota3A = tpu.iota {dimensions = array<i32: 0>} : vector<256x256xi32>
    %iota3A_4 = tpu.iota {dimensions = array<i32: 1>} : vector<256x256xi32>
    %eq3A = arith.cmpi eq, %iota3A, %iota3A_4 : vector<256x256xi32>
    %convert_element_type3A_5 = arith.extui %eq3A : vector<256x256xi1> to vector<256x256xi32>
    %convert_element_type3A_6 = arith.sitofp %convert_element_type3A_5 : vector<256x256xi32> to vector<256x256xf32>
    %dot_general3A = arith.constant dense<0.000000e+00> : vector<256x1xf32>
    %dot_general3A_7 = tpu.matmul %convert_element_type3A_6, %convert_element_type3A, %dot_general3A {dimension_numbers = #tpu.dot_dimension_numbers<[1], [1], [0], [0], [0, 0, 1, 0], [], []>, transpose_lhs_hint = false} : vector<256x256xf32>, vector<1x256xf32>, vector<256x1xf32> -> vector<256x1xf32>
    %convert_element_type3A_8 = arith.fptosi %dot_general3A_7 : vector<256x1xf32> to vector<256x1xi32>
    %iota3A_9 = tpu.iota {dimensions = array<i32: 1>} : vector<256x4096xi32>
    %eq3A_10 = vector.broadcast %convert_element_type3A_8 : vector<256x1xi32> to vector<256x4096xi32>
    %eq3A_11 = arith.cmpi eq, %iota3A_9, %eq3A_10 : vector<256x4096xi32>
    %convert_element_type3A_12 = arith.extui %eq3A_11 : vector<256x4096xi1> to vector<256x4096xi32>
    %convert_element_type3A_13 = arith.sitofp %convert_element_type3A_12 : vector<256x4096xi32> to vector<256x4096xf32>
    %swap3A = arith.constant 0 : index
    %swap3A_14 = arith.constant 0 : index
    %swap3A_15 = vector.load %arg2[%swap3A, %swap3A_14] : memref<256x4096xf32, #tpu.memory_space<vmem>>, vector<256x4096xf32>
    tpu.vector_store %arg2[%swap3A, %swap3A_14], %convert_element_type3A_13 {strides = array<i32>} : memref<256x4096xf32, #tpu.memory_space<vmem>>, vector<256x4096xf32>,
    return
  }
  func.func @transform_0(%arg0: i32) -> (i32, i32) {
    %c0_i32 = arith.constant 0 : i32
    %c0_i32_0 = arith.constant 0 : i32
    %c0_i32_1 = arith.constant 0 : i32
    return %c0_i32, %c0_i32_0 : i32, i32
  }
  func.func @transform_1(%arg0: i32) -> (i32, i32) {
    %c0_i32 = arith.constant 0 : i32
    %c0_i32_0 = arith.constant 0 : i32
    return %arg0, %c0_i32 : i32, i32
  }
}

</mosaic_0001>

<sc_bundles>
// kernel: kernel.5.cloned.1.call-start
scs
__scs_entry_jumppad:
0x0: {  	(pc) =	sbr.rel $0x88, $3  }
0x1: {  	(tag) =	ssettag $0x0;
	lr =	simm.s32 $0x1  }
0x2: {  	[smem:$0x3F9F] =	sst lr;
	_ =	strace $0xD0000000  }
0x3: {  	_ = 	snop  }
0x4: {  	_ = 	snop  }
0x5: {  	_ = 	snop  }
0x6: {  	_ = 	snop  }
0x7: {  	_ = 	snop  }
__scs_overlays_trampoline_lowered:
0x8: {  	[smem:$0x3FAE] =	sst s0  }
0x9: {  	[smem:$0x3FAF] =	sst s1  }
0xa: {  	[smem:$0x3FB0] =	sst s2  }
0xb: {  	[smem:$0x3FB1] =	sst s3  }
0xc: {  	[smem:$0x3FB2] =	sst s4  }
0xd: {  	[smem:$0x3FB3] =	sst s5  }
0xe: {  	[smem:$0x3FB4] =	sst s6  }
0xf: {  	[smem:$0x3FB5] =	sst s7  }
0x10: {  	[smem:$0x3FB6] =	sst s8  }
0x11: {  	[smem:$0x3FB7] =	sst s9;
	s0 =	simm.s32 @!p0 $0x0  }
0x12: {  	s1 =	sld [smem:$0x3F9D];
	s0 =	simm.s32 @p0 $0x1  }
0x13: {  	[smem:$0x3FB8] =	sst s0;
	s0 =	simm.s32 @!p1 $0x0  }
0x14: {  	s2 =	sld [smem:$0x3F9C];
	s0 =	simm.s32 @p1 $0x1  }
0x15: {  	[smem:$0x3FB9] =	sst s0;
	s0 =	simm.s32 @!p2 $0x0  }
0x16: {  	s3 =	sld [smem:$0x3FDB];
	s0 =	simm.s32 @p2 $0x1  }
0x17: {  	s4 =	simm.s32 $0x1BF5;
	[smem:$0x3FBB] =	sst s0  }
0x18: {  	s0 =	sld [smem:$0x3F9E];
	_ =	swait.ge [sflag:s4], $0x0  }
0x19: {  	s7 =	sld [smem:$0x3F9F]  }
0x1a: {  	s8 =	sadd.s32 $0xFFFFE003, lr  }
0x1b: {  	s9 =	sadd.s32 $0xFFFFFEF7, lr;
	s5 =	simm.s32 $0xFFFFFFFF;
	p2 =	slt.u32 s8, $0xFFFFF086  }
0x1c: {  	p1 =	slt.u32 s9, $0xF7A;
	s5 =	simm.s32 @!p2 $0x0  }
0x1d: {  	s5 =	simm.s32 @p1 $0x1;
	p0 =	seq.s32 s7, s2  }
0x1e: {  	s7 =	smul.u32 @!p0 $0xF7A, s2;
	p2 =	seq.s32 @!p0 s5, $0x0  }
0x1f: {  	s9 =	smul.u32 $0xF7A, s1;
	s8 =	simm.s32 @!p0 $0x1BF5;
	p2 =	por !p2, p0  }
0x20: {  	[sflag:s8] =	ssyncset.s32 @!p0 $0xFFFFF086;
	s6 =	sadd.s32 @!p0 s3, s7;
	s7 =	simm.s32 @!p0 $0x108  }
0x21: {  	s3 =	sadd.s32 s3, s9;
	s6 =	sadd.s32 @!p0 $0x88, s6;
	s7 =	simm.s32 @p2 $0x1082  }
0x22: {  	[simem:s7], [sflag:s8] =	dma.local @!p0 [hbm:s6], $0xF7A  }
0x23: {  	s9 =	sor.u32 $0xD0000000, s2;
	s6 =	simm.s32 $0x108;
	_ =	swait.ge @!p0 [sflag:s8], $0x0  }
0x24: {  	s3 =	sadd.s32 $0x88, s3;
	s6 =	simm.s32 @!p1 $0x1082;
	[sflag:s4] =	ssyncset.s32 $0xFFFFF086  }
0x25: {  	[simem:s6], [sflag:s4] =	dma.local [hbm:s3], $0xF7A  }
0x26: {  	[smem:$0x3F9F] =	sst s1;
	(tag) =	ssettag s2;
	_ =	strace s9  }
0x27: {  	s1 =	sld [smem:$0x3FAF]  }
0x28: {  	s2 =	sld [smem:$0x3FB0]  }
0x29: {  	s4 =	sld [smem:$0x3FB2]  }
0x2a: {  	p0 =	seq.s32 s5, $0x0;
	s5 =	sld [smem:$0x3FB3]  }
0x2b: {  	s6 =	sld [smem:$0x3FB4]  }
0x2c: {  	s7 =	sld [smem:$0x3FB5]  }
0x2d: {  	s3 =	simm.s32 $0x108;
	s8 =	sld [smem:$0x3FB6]  }
0x2e: {  	s3 =	simm.s32 @!p0 $0x1082;
	s9 =	sld [smem:$0x3FB7]  }
0x2f: {  	lr =	sadd.s32 s0, s3;
	s0 =	sld [smem:$0x3FAE]  }
0x30: {  	s3 =	sld [smem:$0x3FB1]  }
0x31: {  	[smem:$0x3FBA] =	sst s10  }
0x32: {  	s10 =	sld [smem:$0x3FB8];
	_ =	sdelay $0x3  }
0x33: {  	p0 =	seq.s32 s10, $0x1;
	s10 =	sld [smem:$0x3FBA];
	_ =	sdelay $0x3  }
0x34: {  	[smem:$0x3FBA] =	sst s10  }
0x35: {  	s10 =	sld [smem:$0x3FB9];
	_ =	sdelay $0x3  }
0x36: {  	p1 =	seq.s32 s10, $0x1;
	s10 =	sld [smem:$0x3FBA];
	_ =	sdelay $0x3  }
0x37: {  	[smem:$0x3FBA] =	sst s10  }
0x38: {  	s10 =	sld [smem:$0x3FBB]  }
0x39: {  	_ = 	snop;
	(pc) =	sbr.ind lr, $3  }
0x3a: {  	_ = 	snop  }
0x3b: {  	_ = 	snop  }
0x3c: {  	p2 =	seq.s32 s10, $0x1;
	s10 =	sld [smem:$0x3FBA]  }
0x3d: {  	_ =	shalt  }
0x3e: {  	_ =	shalt  }
0x3f: {  	_ =	shalt  }
0x40: {  	_ =	shalt  }
0x41: {  	_ =	shalt  }
0x42: {  	_ =	shalt  }
0x43: {  	_ =	shalt  }
0x44: {  	_ =	shalt  }
0x45: {  	_ =	shalt  }
0x46: {  	_ =	shalt  }
0x47: {  	_ =	shalt  }
0x48: {  	_ =	shalt  }
0x49: {  	_ =	shalt  }
0x4a: {  	_ =	shalt  }
0x4b: {  	_ =	shalt  }
0x4c: {  	_ =	shalt  }
0x4d: {  	_ =	shalt  }
0x4e: {  	_ =	shalt  }
0x4f: {  	_ =	shalt  }
0x50: {  	_ =	shalt  }
0x51: {  	_ =	shalt  }
0x52: {  	_ =	shalt  }
0x53: {  	_ =	shalt  }
0x54: {  	_ =	shalt  }
0x55: {  	_ =	shalt  }
0x56: {  	_ =	shalt  }
0x57: {  	_ =	shalt  }
0x58: {  	_ =	shalt  }
0x59: {  	_ =	shalt  }
0x5a: {  	_ =	shalt  }
0x5b: {  	_ =	shalt  }
0x5c: {  	_ =	shalt  }
0x5d: {  	_ =	shalt  }
0x5e: {  	_ =	shalt  }
0x5f: {  	_ =	shalt  }
0x60: {  	_ =	shalt  }
0x61: {  	_ =	shalt  }
0x62: {  	_ =	shalt  }
0x63: {  	_ =	shalt  }
0x64: {  	_ =	shalt  }
0x65: {  	_ =	shalt  }
0x66: {  	_ =	shalt  }
0x67: {  	_ =	shalt  }
0x68: {  	_ =	shalt  }
0x69: {  	_ =	shalt  }
0x6a: {  	_ =	shalt  }
0x6b: {  	_ =	shalt  }
0x6c: {  	_ =	shalt  }
0x6d: {  	_ =	shalt  }
0x6e: {  	_ =	shalt  }
0x6f: {  	_ =	shalt  }
0x70: {  	_ =	shalt  }
0x71: {  	_ =	shalt  }
0x72: {  	_ =	shalt  }
0x73: {  	_ =	shalt  }
0x74: {  	_ =	shalt  }
0x75: {  	_ =	shalt  }
0x76: {  	_ =	shalt  }
0x77: {  	_ =	shalt  }
0x78: {  	_ =	shalt  }
0x79: {  	_ =	shalt  }
0x7a: {  	_ =	shalt  }
0x7b: {  	_ =	shalt  }
0x7c: {  	_ =	shalt  }
0x7d: {  	_ =	shalt  }
0x7e: {  	_ =	shalt  }
0x7f: {  	_ =	shalt  }
0x80: {  	_ =	shalt  }
0x81: {  	_ =	shalt  }
0x82: {  	_ =	shalt  }
0x83: {  	_ =	shalt  }
0x84: {  	_ =	shalt  }
0x85: {  	_ =	shalt  }
0x86: {  	_ =	shalt  }
0x87: {  	_ =	shalt  }
.Lfunc_end0:
.L_simem_size_0:
called_computation.1_lowered:
.L_overlay_start_0:
0x88: {  	s2 =	sld [smem:$0x3FD9]  }
0x89: {  	s3 =	sld [smem:$0x3FFE];
	_ =	sdelay $0x1  }
0x8a: {  	s1 =	srdreg.scid  }
0x8b: {  	s0 =	sand.u32 $0x1, s1  }
0x8c: {  	s14 =	sshll.u32 s0, $0xA;
	s2 =	sadd.s32 s3, s2  }
0x8d: {  	s2 =	sadd.s32 s2, s14  }
0x8e: {  	[smem:$0x3FC6] =	sst s2  }
0x8f: {  	_ = 	snop  }
0x90: {  	s2 =	sld [smem:$0x3FD0];
	_ =	sdelay $0x2  }
0x91: {  	s15 =	simm.s32 $0xB;
	s4 =	simm.s32 $0x10  }
0x92: {  	[smem:s4], [sflag:s15] =	dma.local [hbm:s2], $0x1  }
0x93: {  	_ =	swait.eq [sflag:s15], $0x1  }
0x94: {  	[sflag:s15] =	ssyncset.done $0x0  }
0x95: {  	[sflag:s15] =	ssyncadd.s32 $0xFFFFFFFF  }
0x96: {  	s16 =	sld [smem:$0x12];
	(tm) =	ssettm $0x1  }
0x97: {  	s17 =	sld [smem:$0x3FFB];
	_ =	sdelay $0x3  }
0x98: {  	_ =	strace s17  }
0x99: {  	s3 =	sld [smem:$0x3FFC];
	_ =	sdelay $0x3  }
0x9a: {  	_ =	strace s3  }
0x9b: {  	s3 =	sld [smem:$0x3FFD];
	_ =	sdelay $0x3  }
0x9c: {  	_ =	strace s3  }
0x9d: {  	_ =	strace $0x8FFFFFFF  }
0x9e: {  	s18 =	sld [smem:$0x3FDB];
	_ =	sdelay $0x1  }
0x9f: {  	s19 =	simm.s32 $_scs_section_size  }
0xa0: {  	s5 =	simm.s32 $_size__tile_overlayer_lowered;
	s6 =	simm.s32 $_tile_overlayer_lowered  }
0xa1: {  	s22 =	simm.s32 $0x1BFF;
	s21 =	sshll.u32 s6, $0x1;
	s3 =	sadd.s32 s19, s18  }
0xa2: {  	s7 =	simm.s32 $0x0;
	s20 =	sshll.u32 s5, $0x1;
	s5 =	sadd.s32 s21, s3  }
0xa3: {  	[timem:s7], [sflag:s22] =	dma.local [hbm:s5], s20  }
0xa4: {  	_ =	swait.ge [sflag:s22], s20  }
0xa5: {  	s4 =	ssub.s32 $0x0, s20;
	[sflag:s22] =	ssyncset.done $0x0  }
0xa6: {  	[sflag:s22] =	ssyncadd.s32 s4;
	_ =	sdelay $0x1  }
0xa7: {  	s23 =	simm.s32 $0x1B8B  }
0xa8: {  	_ =	swait.ge [sflag:s23], $0x1  }
0xa9: {  	[sflag:s23] =	ssyncset.done $0x0  }
0xaa: {  	s25 =	simm.s32 $0x1B8E;
	s24 =	sld [smem:$0x3FFE];
	[sflag:s23] =	ssyncadd.s32 $0xFFFFFFFF  }
0xab: {  	s26 =	simm.s32 $execute0_lowered;
	[smem:$0x3FD2] =	sst s25  }
0xac: {  	s5 =	sshll.u32 s26, $0x1;
	_ =	strace $0x80000046;
	[dreg:$0x1] =	wrdreg $0xFFFFFFFF  }
0xad: {  	s28 =	simm.s32 $_size_execute0_lowered;
	s3 =	sadd.s32 s3, s5;
	[dreg:$0x0] =	wrdreg $0x0  }
0xae: {  	s5 =	sshll.u32 s28, $0x1;
	[dreg:$0x2] =	wrdreg s3  }
0xaf: {  	[dreg:$0x3] =	wrdreg s5  }
0xb0: {  	[dreg:$0x4] =	wrdreg $0xC0  }
0xb1: {  	_ =	task [dreg:s7], $0x5FFFF  }
0xb2: {  	[dreg:$0x1] =	wrdreg $0xFFFFFFFF  }
0xb3: {  	[dreg:$0x0] =	wrdreg $0x60  }
0xb4: {  	[dreg:$0x2] =	wrdreg s24  }
0xb5: {  	[dreg:$0x3] =	wrdreg s16  }
0xb6: {  	[dreg:$0x4] =	wrdreg $0xA  }
0xb7: {  	_ =	task.clear_ibuf [dreg:s7], $0x5FFFF;
	_ =	strace $0x90000046  }
0xb8: {  	s29 =	simm.s32 $0xA;
	_ =	strace $0x80000048  }
0xb9: {  	_ =	swait.ge [sflag:s29], $0x1  }
0xba: {  	[sflag:s29] =	ssyncadd.s32 $0xFFFFFFFF  }
0xbb: {  	_ =	strace $0x90000048  }
0xbc: {  	_ =	sfence  }
0xbd: {  	s30 =	sld [smem:$0x0];
	_ =	sdelay $0x2  }
0xbe: {  	s31 =	sshll.u32 s1, $0xD;
	s1 =	sshrl.u32 s1, $0x2  }
0xbf: {  	s3 =	sand.u32 $0x4000, s31;
	s1 =	sadd.s32 s1, s30  }
0xc0: {  	s0 =	sor.u32 s3, s0;
	s1 =	sshll.u32 s1, $0x11  }
0xc1: {  	s0 =	sor.u32 s1, s0  }
0xc2: {  	s0 =	sadd.s32 $0x8F2B, s0  }
0xc3: {  	[sflag:s0] =	ssyncadd.remote.s32 $0x1  }
0xc4: {  	_ =	sfence.sel $0xFFFF  }
0xc5: {  	[dreg:$0x0] =	wrdreg $0xFFFFFFFF;
	(pc) =	sbr.abs _section_cstart, $3  }
0xc6: {  	[dreg:$0x1] =	wrdreg $0xFFFFFFFF  }
0xc7: {  	_ =	task.clear_ibuf [dreg:s7], $0x2FFFF;
	_ =	strace $0x9FFFFFFF  }
0xc8: {  	(tm) =	ssettm $0x7FFFFFFF  }
0xc9: {  	_ =	shalt  }
tec
execute0_lowered:
.L_overlay_start_1:
0x0: {  	(tag) =	ssettag $0x1  }
0x1: {  	s1 =	srdreg.scid  }
0x2: {  	s16 =	rddreg [dreg:$0x0];
	s0 =	stileid.u32  }
0x3: {  	s2 =	rddreg [dreg:$0x1];
	s3 =	simm.s32 $0x0;
	s22 =	simm.s32 $0x1080  }
0x4: {  	s23 =	simm.s32 $0x1880;
	s4 =	sand.u32 $0x1, s1;
	s1 =	rddreg [dreg:$0x2]  }
0x5: {  	s5 =	sshll.u32 s0, $0x8;
	[smem:$0x7FF] =	sst s3;
	s15 =	sadd.s32 $0x100, s2  }
0x6: {  	s6 =	sshll.u32 s4, $0x7;
	_ =	strace $0x80000047;
	s26 =	ssub.s32 $0x2, s4  }
0x7: {  	s4 =	sadd.s32 $0x3600, s16;
	s17 =	sor.u32 s6, s5;
	s8 =	sshrl.u32 s26, $0x1  }
0x8: {  	s5 =	sshrl.u32 s17, $0x3;
	s9 =	sshll.u32 s17, $0x9;
	s18 =	ssub.s32 s26, s8  }
0x9: {  	s19 =	sor.u32 $0x10, s17;
	s20 =	sor.u32 $0x20, s17;
	s21 =	sor.u32 $0x30, s17  }
0xa: {  	s28 =	sor.u32 $0x40, s17;
	s29 =	sor.u32 $0x50, s17;
	s30 =	sor.u32 $0x60, s17  }
0xb: {  	v10 =	vlaneseq.u32;
	s31 =	sor.u32 $0x70, s17;
	s7 =	sadd.s32 s5, s16;
	s5 =	sadd.s32 $0x1600, s16  }
0xc: {  	v0 =	vor.u32 s17, v10;
	s6 =	sadd.s32 s4, s9;
	s16 =	sadd.s32 $0x3700, s16;
	s17 =	smax.u32 s18, $0x1  }
0xd: {  	vm0 =	vmmov $0xffff;
	v1 =	vor.u32 s19, v10;
	v2 =	vor.u32 s20, v10;
	s18 =	simm.s32 $0x1;
	s19 =	simm.s32 $0x2080;
	s20 =	simm.s32 $0x80  }
0xe: {  	v8 =	vand.u32 $0x7, v10;
	v9 =	vshrl.u32 v10, $0x3;
	v3 =	vor.u32 s21, v10;
	s21 =	simm.s32 $0x880;
	s7 =	sadd.s32 $0x1200, s7;
	s8 =	sadd.s32 $0x2000, s6  }
0xf: {  	v9 =	vmul.u32 $0x8, v9;
	v4 =	vor.u32 s28, v10;
	v5 =	vor.u32 s29, v10;
	s9 =	sadd.s32 $0x4000, s6;
	s10 =	sadd.s32 $0x6000, s6;
	s11 =	sadd.s32 $0x8000, s6  }
0x10: {  	v6 =	vor.u32 s30, v10;
	v7 =	vor.u32 s31, v10;
	v10 =	vor.u32 $0x8, v10;
	s12 =	sadd.s32 $0xA000, s6;
	s13 =	sadd.s32 $0xC000, s6;
	s14 =	sadd.s32 $0xE000, s6  }
.LBB2_1:
0x11: {  	[tilespmem:s3], [sflag:$0x1] =	stream.linear.gather [hbm4b:s7+s3], $0x80, $0x38;
	[tilespmem:$0x12080] =	vst v63  }
0x12: {  	_ =	swait.ge [sflag:s18], $0x80  }
0x13: {  	[sflag:s18] =	ssyncset.done $0x0  }
0x14: {  	[sflag:s18] =	ssyncadd.s32 $0xFFFFFF80  }
0x15: {  	[tilespmem:s19], [sflag:$0x1] =	stream.linear.gather [hbm4b:s5+s3], $0x10000, $0x38;
	[tilespmem:$0x12080] =	vst v63  }
0x16: {  	_ =	swait.ge [sflag:s18], $0x10000  }
0x17: {  	[sflag:s18] =	ssyncset.done $0x0  }
0x18: {  	[sflag:s18] =	ssyncadd.s32 $0xFFFF0000  }
0x19: {  	[hbm4b:s6+s3] =	stream.linear.scatter [tilespmem:s19], [sflag:$0x1], $0x10000, $0x38;
	[tilespmem:$0x12080] =	vst v63  }
0x1a: {  	_ =	swait.ge [sflag:s18], $0x10000  }
0x1b: {  	[sflag:s18] =	ssyncset.done $0x0  }
0x1c: {  	[sflag:s18] =	ssyncadd.s32 $0xFFFF0000  }
0x1d: {  	[hbm4b:s8+s3] =	stream.linear.scatter [tilespmem:s19], [sflag:$0x1], $0x10000, $0x38;
	[tilespmem:$0x12080] =	vst v63  }
0x1e: {  	_ =	swait.ge [sflag:s18], $0x10000  }
0x1f: {  	[sflag:s18] =	ssyncset.done $0x0  }
0x20: {  	[sflag:s18] =	ssyncadd.s32 $0xFFFF0000  }
0x21: {  	[hbm4b:s9+s3] =	stream.linear.scatter [tilespmem:s19], [sflag:$0x1], $0x10000, $0x38;
	[tilespmem:$0x12080] =	vst v63  }
0x22: {  	_ =	swait.ge [sflag:s18], $0x10000  }
0x23: {  	[sflag:s18] =	ssyncset.done $0x0  }
0x24: {  	[sflag:s18] =	ssyncadd.s32 $0xFFFF0000  }
0x25: {  	[hbm4b:s10+s3] =	stream.linear.scatter [tilespmem:s19], [sflag:$0x1], $0x10000, $0x38;
	[tilespmem:$0x12080] =	vst v63  }
0x26: {  	_ =	swait.ge [sflag:s18], $0x10000  }
0x27: {  	[sflag:s18] =	ssyncset.done $0x0  }
0x28: {  	[sflag:s18] =	ssyncadd.s32 $0xFFFF0000  }
0x29: {  	[hbm4b:s11+s3] =	stream.linear.scatter [tilespmem:s19], [sflag:$0x1], $0x10000, $0x38;
	[tilespmem:$0x12080] =	vst v63  }
0x2a: {  	_ =	swait.ge [sflag:s18], $0x10000  }
0x2b: {  	[sflag:s18] =	ssyncset.done $0x0  }
0x2c: {  	[sflag:s18] =	ssyncadd.s32 $0xFFFF0000  }
0x2d: {  	[hbm4b:s12+s3] =	stream.linear.scatter [tilespmem:s19], [sflag:$0x1], $0x10000, $0x38;
	[tilespmem:$0x12080] =	vst v63  }
0x2e: {  	_ =	swait.ge [sflag:s18], $0x10000  }
0x2f: {  	[sflag:s18] =	ssyncset.done $0x0  }
0x30: {  	[sflag:s18] =	ssyncadd.s32 $0xFFFF0000  }
0x31: {  	[hbm4b:s13+s3] =	stream.linear.scatter [tilespmem:s19], [sflag:$0x1], $0x10000, $0x38;
	[tilespmem:$0x12080] =	vst v63  }
0x32: {  	_ =	swait.ge [sflag:s18], $0x10000  }
0x33: {  	[sflag:s18] =	ssyncset.done $0x0  }
0x34: {  	[sflag:s18] =	ssyncadd.s32 $0xFFFF0000  }
0x35: {  	[hbm4b:s14+s3] =	stream.linear.scatter [tilespmem:s19], [sflag:$0x1], $0x10000, $0x38;
	[tilespmem:$0x12080] =	vst v63  }
0x36: {  	_ =	swait.ge [sflag:s18], $0x10000  }
0x37: {  	[sflag:s18] =	ssyncset.done $0x0  }
0x38: {  	[sflag:s18] =	ssyncadd.s32 $0xFFFF0000  }
0x39: {  	v11 =	vld [tilespmem:$0x0];
	_ =	sdelay $0x4  }
0x3a: {  	vm1 =	vgt.s32 v11, $0xFFFFFFFF;
	v12 =	vand.u32 $0x1FF, v11  }
0x3b: {  	v12 =	vnsel vm1, $0x200, v12  }
0x3c: {  	v13 =	vshll.u32 v12, $0x2  }
0x3d: {  	v12 =	vand.u32 $0x7, v12;
	v13 =	vand.u32 $0xFE0, v13  }
0x3e: {  	v12 =	vor.u32 v12, v13  }
0x3f: {  	v13 =	vperm.xlane v12, v8;
	_ =	sdelay $0x1  }
0x40: {  	v13 =	vadd.s32 v9, v13;
	_ =	sdelay $0x1  }
0x41: {  	vm1 =	vgt.s32 v11, $0x0;
	v12 =	vperm.xlane v12, v10  }
0x42: {  	v11 =	vnsel vm1, $0x0, v11  }
0x43: {  	v14 =	vshrl.u32 v11, $0xC;
	v12 =	vadd.s32 v9, v12  }
0x44: {  	v11 =	vshrl.u32 v11, $0x9;
	v14 =	vadd.s32 v14, v0;
	[tilespmem:s20], [sflag:$0x1] =	stream.indirect_vreg.gather [hbm4b:s2+s3], $0x80, v13, vm0, $0xb8;
	[tilespmem:$0x12080] =	vst v63  }
0x45: {  	v11 =	vand.u32 $0x7, v11;
	v14 =	vshll.u32 v14, $0x5  }
0x46: {  	v11 =	vor.u32 v11, v14;
	[tilespmem:s21], [sflag:$0x1] =	stream.indirect_vreg.gather [hbm4b:s15+s3], $0x80, v13, vm0, $0xb8;
	[tilespmem:$0x12080] =	vst v63  }
0x47: {  	v35 =	vperm.xlane v11, v8  }
0x48: {  	[tilespmem:s22], [sflag:$0x1] =	stream.indirect_vreg.gather [hbm4b:s2+s3], $0x80, v12, vm0, $0xb8;
	[tilespmem:$0x12080] =	vst v63  }
0x49: {  	v13 =	vadd.s32 v9, v35  }
0x4a: {  	[tilespmem:s23], [sflag:$0x1] =	stream.indirect_vreg.gather [hbm4b:s15+s3], $0x80, v12, vm0, $0xb8;
	[tilespmem:$0x12080] =	vst v63  }
0x4b: {  	v11 =	vperm.xlane v11, v10;
	_ =	swait.ge [sflag:s18], $0x2000  }
0x4c: {  	[sflag:s18] =	ssyncset.done $0x0  }
0x4d: {  	v11 =	vadd.s32 v9, v11;
	[sflag:s18] =	ssyncadd.s32 $0xFFFFE000  }
0x4e: {  	[hbm4b:s4+s3] =	stream.indirect_vreg.scatter [tilespmem:s20], [sflag:$0x1], $0x80, v13, vm0, $0xb8;
	[tilespmem:$0x12080] =	vst v63  }
0x4f: {  	_ = 	snop  }
0x50: {  	[hbm4b:s16+s3] =	stream.indirect_vreg.scatter [tilespmem:s21], [sflag:$0x1], $0x80, v13, vm0, $0xb8;
	[tilespmem:$0x12080] =	vst v63  }
0x51: {  	_ = 	snop  }
0x52: {  	[hbm4b:s4+s3] =	stream.indirect_vreg.scatter [tilespmem:s22], [sflag:$0x1], $0x80, v11, vm0, $0xb8;
	[tilespmem:$0x12080] =	vst v63  }
0x53: {  	_ = 	snop  }
0x54: {  	[hbm4b:s16+s3] =	stream.indirect_vreg.scatter [tilespmem:s23], [sflag:$0x1], $0x80, v11, vm0, $0xb8;
	[tilespmem:$0x12080] =	vst v63  }
0x55: {  	_ =	swait.ge [sflag:s18], $0x2000  }
0x56: {  	[sflag:s18] =	ssyncset.done $0x0  }
0x57: {  	[sflag:s18] =	ssyncadd.s32 $0xFFFFE000  }
0x58: {  	v11 =	vld [tilespmem:$0x10];
	_ =	sdelay $0x4  }
0x59: {  	vm1 =	vgt.s32 v11, $0xFFFFFFFF;
	v36 =	vand.u32 $0x1FF, v11  }
0x5a: {  	v12 =	vnsel vm1, $0x200, v36  }
0x5b: {  	v37 =	vshll.u32 v12, $0x2  }
0x5c: {  	v12 =	vand.u32 $0x7, v12;
	v13 =	vand.u32 $0xFE0, v37  }
0x5d: {  	v12 =	vor.u32 v12, v13  }
0x5e: {  	v13 =	vperm.xlane v12, v8;
	_ =	sdelay $0x1  }
0x5f: {  	v13 =	vadd.s32 v9, v13;
	_ =	sdelay $0x1  }
0x60: {  	vm1 =	vgt.s32 v11, $0x0;
	v12 =	vperm.xlane v12, v10  }
0x61: {  	v11 =	vnsel vm1, $0x0, v11  }
0x62: {  	v38 =	vshrl.u32 v11, $0xC;
	v12 =	vadd.s32 v9, v12  }
0x63: {  	v11 =	vshrl.u32 v11, $0x9;
	v14 =	vadd.s32 v38, v1;
	[tilespmem:s20], [sflag:$0x1] =	stream.indirect_vreg.gather [hbm4b:s2+s3], $0x80, v13, vm0, $0xb8;
	[tilespmem:$0x12080] =	vst v63  }
0x64: {  	v11 =	vand.u32 $0x7, v11;
	v14 =	vshll.u32 v14, $0x5  }
0x65: {  	v11 =	vor.u32 v11, v14;
	[tilespmem:s21], [sflag:$0x1] =	stream.indirect_vreg.gather [hbm4b:s15+s3], $0x80, v13, vm0, $0xb8;
	[tilespmem:$0x12080] =	vst v63  }
0x66: {  	v39 =	vperm.xlane v11, v8  }
0x67: {  	[tilespmem:s22], [sflag:$0x1] =	stream.indirect_vreg.gather [hbm4b:s2+s3], $0x80, v12, vm0, $0xb8;
	[tilespmem:$0x12080] =	vst v63  }
0x68: {  	v13 =	vadd.s32 v9, v39  }
0x69: {  	[tilespmem:s23], [sflag:$0x1] =	stream.indirect_vreg.gather [hbm4b:s15+s3], $0x80, v12, vm0, $0xb8;
	[tilespmem:$0x12080] =	vst v63  }
0x6a: {  	v11 =	vperm.xlane v11, v10;
	_ =	swait.ge [sflag:s18], $0x2000  }
0x6b: {  	[sflag:s18] =	ssyncset.done $0x0  }
0x6c: {  	v11 =	vadd.s32 v9, v11;
	[sflag:s18] =	ssyncadd.s32 $0xFFFFE000  }
0x6d: {  	[hbm4b:s4+s3] =	stream.indirect_vreg.scatter [tilespmem:s20], [sflag:$0x1], $0x80, v13, vm0, $0xb8;
	[tilespmem:$0x12080] =	vst v63  }
0x6e: {  	_ = 	snop  }
0x6f: {  	[hbm4b:s16+s3] =	stream.indirect_vreg.scatter [tilespmem:s21], [sflag:$0x1], $0x80, v13, vm0, $0xb8;
	[tilespmem:$0x12080] =	vst v63  }
0x70: {  	_ = 	snop  }
0x71: {  	[hbm4b:s4+s3] =	stream.indirect_vreg.scatter [tilespmem:s22], [sflag:$0x1], $0x80, v11, vm0, $0xb8;
	[tilespmem:$0x12080] =	vst v63  }
0x72: {  	_ = 	snop  }
0x73: {  	[hbm4b:s16+s3] =	stream.indirect_vreg.scatter [tilespmem:s23], [sflag:$0x1], $0x80, v11, vm0, $0xb8;
	[tilespmem:$0x12080] =	vst v63  }
0x74: {  	_ =	swait.ge [sflag:s18], $0x2000  }
0x75: {  	[sflag:s18] =	ssyncset.done $0x0  }
0x76: {  	[sflag:s18] =	ssyncadd.s32 $0xFFFFE000  }
0x77: {  	v11 =	vld [tilespmem:$0x20];
	_ =	sdelay $0x4  }
0x78: {  	vm1 =	vgt.s32 v11, $0xFFFFFFFF;
	v40 =	vand.u32 $0x1FF, v11  }
0x79: {  	v12 =	vnsel vm1, $0x200, v40  }
0x7a: {  	v41 =	vshll.u32 v12, $0x2  }
0x7b: {  	v12 =	vand.u32 $0x7, v12;
	v13 =	vand.u32 $0xFE0, v41  }
0x7c: {  	v12 =	vor.u32 v12, v13  }
0x7d: {  	v13 =	vperm.xlane v12, v8;
	_ =	sdelay $0x1  }
0x7e: {  	v13 =	vadd.s32 v9, v13;
	_ =	sdelay $0x1  }
0x7f: {  	vm1 =	vgt.s32 v11, $0x0;
	v12 =	vperm.xlane v12, v10  }
0x80: {  	v11 =	vnsel vm1, $0x0, v11  }
0x81: {  	v42 =	vshrl.u32 v11, $0xC;
	v12 =	vadd.s32 v9, v12  }
0x82: {  	v11 =	vshrl.u32 v11, $0x9;
	v14 =	vadd.s32 v42, v2;
	[tilespmem:s20], [sflag:$0x1] =	stream.indirect_vreg.gather [hbm4b:s2+s3], $0x80, v13, vm0, $0xb8;
	[tilespmem:$0x12080] =	vst v63  }
0x83: {  	v11 =	vand.u32 $0x7, v11;
	v14 =	vshll.u32 v14, $0x5  }
0x84: {  	v11 =	vor.u32 v11, v14;
	[tilespmem:s21], [sflag:$0x1] =	stream.indirect_vreg.gather [hbm4b:s15+s3], $0x80, v13, vm0, $0xb8;
	[tilespmem:$0x12080] =	vst v63  }
0x85: {  	v43 =	vperm.xlane v11, v8  }
0x86: {  	[tilespmem:s22], [sflag:$0x1] =	stream.indirect_vreg.gather [hbm4b:s2+s3], $0x80, v12, vm0, $0xb8;
	[tilespmem:$0x12080] =	vst v63  }
0x87: {  	v13 =	vadd.s32 v9, v43  }
0x88: {  	[tilespmem:s23], [sflag:$0x1] =	stream.indirect_vreg.gather [hbm4b:s15+s3], $0x80, v12, vm0, $0xb8;
	[tilespmem:$0x12080] =	vst v63  }
0x89: {  	v11 =	vperm.xlane v11, v10;
	_ =	swait.ge [sflag:s18], $0x2000  }
0x8a: {  	[sflag:s18] =	ssyncset.done $0x0  }
0x8b: {  	v11 =	vadd.s32 v9, v11;
	[sflag:s18] =	ssyncadd.s32 $0xFFFFE000  }
0x8c: {  	[hbm4b:s4+s3] =	stream.indirect_vreg.scatter [tilespmem:s20], [sflag:$0x1], $0x80, v13, vm0, $0xb8;
	[tilespmem:$0x12080] =	vst v63  }
0x8d: {  	_ = 	snop  }
0x8e: {  	[hbm4b:s16+s3] =	stream.indirect_vreg.scatter [tilespmem:s21], [sflag:$0x1], $0x80, v13, vm0, $0xb8;
	[tilespmem:$0x12080] =	vst v63  }
0x8f: {  	_ = 	snop  }
0x90: {  	[hbm4b:s4+s3] =	stream.indirect_vreg.scatter [tilespmem:s22], [sflag:$0x1], $0x80, v11, vm0, $0xb8;
	[tilespmem:$0x12080] =	vst v63  }
0x91: {  	_ = 	snop  }
0x92: {  	[hbm4b:s16+s3] =	stream.indirect_vreg.scatter [tilespmem:s23], [sflag:$0x1], $0x80, v11, vm0, $0xb8;
	[tilespmem:$0x12080] =	vst v63  }
0x93: {  	_ =	swait.ge [sflag:s18], $0x2000  }
0x94: {  	[sflag:s18] =	ssyncset.done $0x0  }
0x95: {  	[sflag:s18] =	ssyncadd.s32 $0xFFFFE000  }
0x96: {  	v11 =	vld [tilespmem:$0x30];
	_ =	sdelay $0x4  }
0x97: {  	vm1 =	vgt.s32 v11, $0xFFFFFFFF;
	v44 =	vand.u32 $0x1FF, v11  }
0x98: {  	v12 =	vnsel vm1, $0x200, v44  }
0x99: {  	v45 =	vshll.u32 v12, $0x2  }
0x9a: {  	v12 =	vand.u32 $0x7, v12;
	v13 =	vand.u32 $0xFE0, v45  }
0x9b: {  	v12 =	vor.u32 v12, v13  }
0x9c: {  	v13 =	vperm.xlane v12, v8;
	_ =	sdelay $0x1  }
0x9d: {  	v13 =	vadd.s32 v9, v13;
	_ =	sdelay $0x1  }
0x9e: {  	vm1 =	vgt.s32 v11, $0x0;
	v12 =	vperm.xlane v12, v10  }
0x9f: {  	v11 =	vnsel vm1, $0x0, v11  }
0xa0: {  	v46 =	vshrl.u32 v11, $0xC;
	v12 =	vadd.s32 v9, v12  }
0xa1: {  	v11 =	vshrl.u32 v11, $0x9;
	v14 =	vadd.s32 v46, v3;
	[tilespmem:s20], [sflag:$0x1] =	stream.indirect_vreg.gather [hbm4b:s2+s3], $0x80, v13, vm0, $0xb8;
	[tilespmem:$0x12080] =	vst v63  }
0xa2: {  	v11 =	vand.u32 $0x7, v11;
	v14 =	vshll.u32 v14, $0x5  }
0xa3: {  	v11 =	vor.u32 v11, v14;
	[tilespmem:s21], [sflag:$0x1] =	stream.indirect_vreg.gather [hbm4b:s15+s3], $0x80, v13, vm0, $0xb8;
	[tilespmem:$0x12080] =	vst v63  }
0xa4: {  	v47 =	vperm.xlane v11, v8  }
0xa5: {  	[tilespmem:s22], [sflag:$0x1] =	stream.indirect_vreg.gather [hbm4b:s2+s3], $0x80, v12, vm0, $0xb8;
	[tilespmem:$0x12080] =	vst v63  }
0xa6: {  	v13 =	vadd.s32 v9, v47  }
0xa7: {  	[tilespmem:s23], [sflag:$0x1] =	stream.indirect_vreg.gather [hbm4b:s15+s3], $0x80, v12, vm0, $0xb8;
	[tilespmem:$0x12080] =	vst v63  }
0xa8: {  	v11 =	vperm.xlane v11, v10;
	_ =	swait.ge [sflag:s18], $0x2000  }
0xa9: {  	[sflag:s18] =	ssyncset.done $0x0  }
0xaa: {  	v11 =	vadd.s32 v9, v11;
	[sflag:s18] =	ssyncadd.s32 $0xFFFFE000  }
0xab: {  	[hbm4b:s4+s3] =	stream.indirect_vreg.scatter [tilespmem:s20], [sflag:$0x1], $0x80, v13, vm0, $0xb8;
	[tilespmem:$0x12080] =	vst v63  }
0xac: {  	_ = 	snop  }
0xad: {  	[hbm4b:s16+s3] =	stream.indirect_vreg.scatter [tilespmem:s21], [sflag:$0x1], $0x80, v13, vm0, $0xb8;
	[tilespmem:$0x12080] =	vst v63  }
0xae: {  	_ = 	snop  }
0xaf: {  	[hbm4b:s4+s3] =	stream.indirect_vreg.scatter [tilespmem:s22], [sflag:$0x1], $0x80, v11, vm0, $0xb8;
	[tilespmem:$0x12080] =	vst v63  }
0xb0: {  	_ = 	snop  }
0xb1: {  	[hbm4b:s16+s3] =	stream.indirect_vreg.scatter [tilespmem:s23], [sflag:$0x1], $0x80, v11, vm0, $0xb8;
	[tilespmem:$0x12080] =	vst v63  }
0xb2: {  	_ =	swait.ge [sflag:s18], $0x2000  }
0xb3: {  	[sflag:s18] =	ssyncset.done $0x0  }
0xb4: {  	[sflag:s18] =	ssyncadd.s32 $0xFFFFE000  }
0xb5: {  	v11 =	vld [tilespmem:$0x40];
	_ =	sdelay $0x4  }
0xb6: {  	vm1 =	vgt.s32 v11, $0xFFFFFFFF;
	v48 =	vand.u32 $0x1FF, v11  }
0xb7: {  	v12 =	vnsel vm1, $0x200, v48  }
0xb8: {  	v49 =	vshll.u32 v12, $0x2  }
0xb9: {  	v12 =	vand.u32 $0x7, v12;
	v13 =	vand.u32 $0xFE0, v49  }
0xba: {  	v12 =	vor.u32 v12, v13  }
0xbb: {  	v13 =	vperm.xlane v12, v8;
	_ =	sdelay $0x1  }
0xbc: {  	v13 =	vadd.s32 v9, v13;
	_ =	sdelay $0x1  }
0xbd: {  	vm1 =	vgt.s32 v11, $0x0;
	v12 =	vperm.xlane v12, v10  }
0xbe: {  	v11 =	vnsel vm1, $0x0, v11  }
0xbf: {  	v50 =	vshrl.u32 v11, $0xC;
	v12 =	vadd.s32 v9, v12  }
0xc0: {  	v11 =	vshrl.u32 v11, $0x9;
	v14 =	vadd.s32 v50, v4;
	[tilespmem:s20], [sflag:$0x1] =	stream.indirect_vreg.gather [hbm4b:s2+s3], $0x80, v13, vm0, $0xb8;
	[tilespmem:$0x12080] =	vst v63  }
0xc1: {  	v11 =	vand.u32 $0x7, v11;
	v14 =	vshll.u32 v14, $0x5  }
0xc2: {  	v11 =	vor.u32 v11, v14;
	[tilespmem:s21], [sflag:$0x1] =	stream.indirect_vreg.gather [hbm4b:s15+s3], $0x80, v13, vm0, $0xb8;
	[tilespmem:$0x12080] =	vst v63  }
0xc3: {  	v51 =	vperm.xlane v11, v8  }
0xc4: {  	[tilespmem:s22], [sflag:$0x1] =	stream.indirect_vreg.gather [hbm4b:s2+s3], $0x80, v12, vm0, $0xb8;
	[tilespmem:$0x12080] =	vst v63  }
0xc5: {  	v13 =	vadd.s32 v9, v51  }
0xc6: {  	[tilespmem:s23], [sflag:$0x1] =	stream.indirect_vreg.gather [hbm4b:s15+s3], $0x80, v12, vm0, $0xb8;
	[tilespmem:$0x12080] =	vst v63  }
0xc7: {  	v11 =	vperm.xlane v11, v10;
	_ =	swait.ge [sflag:s18], $0x2000  }
0xc8: {  	[sflag:s18] =	ssyncset.done $0x0  }
0xc9: {  	v11 =	vadd.s32 v9, v11;
	[sflag:s18] =	ssyncadd.s32 $0xFFFFE000  }
0xca: {  	[hbm4b:s4+s3] =	stream.indirect_vreg.scatter [tilespmem:s20], [sflag:$0x1], $0x80, v13, vm0, $0xb8;
	[tilespmem:$0x12080] =	vst v63  }
0xcb: {  	_ = 	snop  }
0xcc: {  	[hbm4b:s16+s3] =	stream.indirect_vreg.scatter [tilespmem:s21], [sflag:$0x1], $0x80, v13, vm0, $0xb8;
	[tilespmem:$0x12080] =	vst v63  }
0xcd: {  	_ = 	snop  }
0xce: {  	[hbm4b:s4+s3] =	stream.indirect_vreg.scatter [tilespmem:s22], [sflag:$0x1], $0x80, v11, vm0, $0xb8;
	[tilespmem:$0x12080] =	vst v63  }
0xcf: {  	_ = 	snop  }
0xd0: {  	[hbm4b:s16+s3] =	stream.indirect_vreg.scatter [tilespmem:s23], [sflag:$0x1], $0x80, v11, vm0, $0xb8;
	[tilespmem:$0x12080] =	vst v63  }
0xd1: {  	_ =	swait.ge [sflag:s18], $0x2000  }
0xd2: {  	[sflag:s18] =	ssyncset.done $0x0  }
0xd3: {  	[sflag:s18] =	ssyncadd.s32 $0xFFFFE000  }
0xd4: {  	v11 =	vld [tilespmem:$0x50];
	_ =	sdelay $0x4  }
0xd5: {  	vm1 =	vgt.s32 v11, $0xFFFFFFFF;
	v52 =	vand.u32 $0x1FF, v11  }
0xd6: {  	v12 =	vnsel vm1, $0x200, v52  }
0xd7: {  	v53 =	vshll.u32 v12, $0x2  }
0xd8: {  	v12 =	vand.u32 $0x7, v12;
	v13 =	vand.u32 $0xFE0, v53  }
0xd9: {  	v12 =	vor.u32 v12, v13  }
0xda: {  	v13 =	vperm.xlane v12, v8;
	_ =	sdelay $0x1  }
0xdb: {  	v13 =	vadd.s32 v9, v13;
	_ =	sdelay $0x1  }
0xdc: {  	vm1 =	vgt.s32 v11, $0x0;
	v12 =	vperm.xlane v12, v10  }
0xdd: {  	v11 =	vnsel vm1, $0x0, v11  }
0xde: {  	v54 =	vshrl.u32 v11, $0xC;
	v12 =	vadd.s32 v9, v12  }
0xdf: {  	v11 =	vshrl.u32 v11, $0x9;
	v14 =	vadd.s32 v54, v5;
	[tilespmem:s20], [sflag:$0x1] =	stream.indirect_vreg.gather [hbm4b:s2+s3], $0x80, v13, vm0, $0xb8;
	[tilespmem:$0x12080] =	vst v63  }
0xe0: {  	v11 =	vand.u32 $0x7, v11;
	v14 =	vshll.u32 v14, $0x5  }
0xe1: {  	v11 =	vor.u32 v11, v14;
	[tilespmem:s21], [sflag:$0x1] =	stream.indirect_vreg.gather [hbm4b:s15+s3], $0x80, v13, vm0, $0xb8;
	[tilespmem:$0x12080] =	vst v63  }
0xe2: {  	v55 =	vperm.xlane v11, v8  }
0xe3: {  	[tilespmem:s22], [sflag:$0x1] =	stream.indirect_vreg.gather [hbm4b:s2+s3], $0x80, v12, vm0, $0xb8;
	[tilespmem:$0x12080] =	vst v63  }
0xe4: {  	v13 =	vadd.s32 v9, v55  }
0xe5: {  	[tilespmem:s23], [sflag:$0x1] =	stream.indirect_vreg.gather [hbm4b:s15+s3], $0x80, v12, vm0, $0xb8;
	[tilespmem:$0x12080] =	vst v63  }
0xe6: {  	v11 =	vperm.xlane v11, v10;
	_ =	swait.ge [sflag:s18], $0x2000  }
0xe7: {  	[sflag:s18] =	ssyncset.done $0x0  }
0xe8: {  	v11 =	vadd.s32 v9, v11;
	[sflag:s18] =	ssyncadd.s32 $0xFFFFE000  }
0xe9: {  	[hbm4b:s4+s3] =	stream.indirect_vreg.scatter [tilespmem:s20], [sflag:$0x1], $0x80, v13, vm0, $0xb8;
	[tilespmem:$0x12080] =	vst v63  }
0xea: {  	_ = 	snop  }
0xeb: {  	[hbm4b:s16+s3] =	stream.indirect_vreg.scatter [tilespmem:s21], [sflag:$0x1], $0x80, v13, vm0, $0xb8;
	[tilespmem:$0x12080] =	vst v63  }
0xec: {  	_ = 	snop  }
0xed: {  	[hbm4b:s4+s3] =	stream.indirect_vreg.scatter [tilespmem:s22], [sflag:$0x1], $0x80, v11, vm0, $0xb8;
	[tilespmem:$0x12080] =	vst v63  }
0xee: {  	_ = 	snop  }
0xef: {  	[hbm4b:s16+s3] =	stream.indirect_vreg.scatter [tilespmem:s23], [sflag:$0x1], $0x80, v11, vm0, $0xb8;
	[tilespmem:$0x12080] =	vst v63  }
0xf0: {  	_ =	swait.ge [sflag:s18], $0x2000  }
0xf1: {  	[sflag:s18] =	ssyncset.done $0x0  }
0xf2: {  	[sflag:s18] =	ssyncadd.s32 $0xFFFFE000  }
0xf3: {  	v11 =	vld [tilespmem:$0x60];
	_ =	sdelay $0x4  }
0xf4: {  	vm1 =	vgt.s32 v11, $0xFFFFFFFF;
	v56 =	vand.u32 $0x1FF, v11  }
0xf5: {  	v12 =	vnsel vm1, $0x200, v56  }
0xf6: {  	v57 =	vshll.u32 v12, $0x2  }
0xf7: {  	v12 =	vand.u32 $0x7, v12;
	v13 =	vand.u32 $0xFE0, v57  }
0xf8: {  	v12 =	vor.u32 v12, v13  }
0xf9: {  	v13 =	vperm.xlane v12, v8;
	_ =	sdelay $0x1  }
0xfa: {  	v13 =	vadd.s32 v9, v13;
	_ =	sdelay $0x1  }
0xfb: {  	vm1 =	vgt.s32 v11, $0x0;
	v12 =	vperm.xlane v12, v10  }
0xfc: {  	v11 =	vnsel vm1, $0x0, v11  }
0xfd: {  	v58 =	vshrl.u32 v11, $0xC;
	v12 =	vadd.s32 v9, v12  }
0xfe: {  	v11 =	vshrl.u32 v11, $0x9;
	v14 =	vadd.s32 v58, v6;
	[tilespmem:s20], [sflag:$0x1] =	stream.indirect_vreg.gather [hbm4b:s2+s3], $0x80, v13, vm0, $0xb8;
	[tilespmem:$0x12080] =	vst v63  }
0xff: {  	v11 =	vand.u32 $0x7, v11;
	v14 =	vshll.u32 v14, $0x5  }
0x100: {  	v11 =	vor.u32 v11, v14;
	[tilespmem:s21], [sflag:$0x1] =	stream.indirect_vreg.gather [hbm4b:s15+s3], $0x80, v13, vm0, $0xb8;
	[tilespmem:$0x12080] =	vst v63  }
0x101: {  	v59 =	vperm.xlane v11, v8  }
0x102: {  	[tilespmem:s22], [sflag:$0x1] =	stream.indirect_vreg.gather [hbm4b:s2+s3], $0x80, v12, vm0, $0xb8;
	[tilespmem:$0x12080] =	vst v63  }
0x103: {  	v13 =	vadd.s32 v9, v59  }
0x104: {  	[tilespmem:s23], [sflag:$0x1] =	stream.indirect_vreg.gather [hbm4b:s15+s3], $0x80, v12, vm0, $0xb8;
	[tilespmem:$0x12080] =	vst v63  }
0x105: {  	v11 =	vperm.xlane v11, v10;
	_ =	swait.ge [sflag:s18], $0x2000  }
0x106: {  	[sflag:s18] =	ssyncset.done $0x0  }
0x107: {  	v11 =	vadd.s32 v9, v11;
	[sflag:s18] =	ssyncadd.s32 $0xFFFFE000  }
0x108: {  	[hbm4b:s4+s3] =	stream.indirect_vreg.scatter [tilespmem:s20], [sflag:$0x1], $0x80, v13, vm0, $0xb8;
	[tilespmem:$0x12080] =	vst v63  }
0x109: {  	_ = 	snop  }
0x10a: {  	[hbm4b:s16+s3] =	stream.indirect_vreg.scatter [tilespmem:s21], [sflag:$0x1], $0x80, v13, vm0, $0xb8;
	[tilespmem:$0x12080] =	vst v63  }
0x10b: {  	_ = 	snop  }
0x10c: {  	[hbm4b:s4+s3] =	stream.indirect_vreg.scatter [tilespmem:s22], [sflag:$0x1], $0x80, v11, vm0, $0xb8;
	[tilespmem:$0x12080] =	vst v63  }
0x10d: {  	_ = 	snop  }
0x10e: {  	[hbm4b:s16+s3] =	stream.indirect_vreg.scatter [tilespmem:s23], [sflag:$0x1], $0x80, v11, vm0, $0xb8;
	[tilespmem:$0x12080] =	vst v63  }
0x10f: {  	_ =	swait.ge [sflag:s18], $0x2000  }
0x110: {  	[sflag:s18] =	ssyncset.done $0x0  }
0x111: {  	[sflag:s18] =	ssyncadd.s32 $0xFFFFE000  }
0x112: {  	v11 =	vld [tilespmem:$0x70];
	_ =	sdelay $0x4  }
0x113: {  	vm1 =	vgt.s32 v11, $0xFFFFFFFF;
	v60 =	vand.u32 $0x1FF, v11  }
0x114: {  	v12 =	vnsel vm1, $0x200, v60  }
0x115: {  	v61 =	vshll.u32 v12, $0x2  }
0x116: {  	v12 =	vand.u32 $0x7, v12;
	v13 =	vand.u32 $0xFE0, v61  }
0x117: {  	v12 =	vor.u32 v12, v13  }
0x118: {  	v13 =	vperm.xlane v12, v8;
	_ =	sdelay $0x1  }
0x119: {  	v13 =	vadd.s32 v9, v13;
	_ =	sdelay $0x1  }
0x11a: {  	vm1 =	vgt.s32 v11, $0x0;
	v12 =	vperm.xlane v12, v10  }
0x11b: {  	v11 =	vnsel vm1, $0x0, v11  }
0x11c: {  	v62 =	vshrl.u32 v11, $0xC;
	v12 =	vadd.s32 v9, v12  }
0x11d: {  	v11 =	vshrl.u32 v11, $0x9;
	v14 =	vadd.s32 v62, v7;
	[tilespmem:s20], [sflag:$0x1] =	stream.indirect_vreg.gather [hbm4b:s2+s3], $0x80, v13, vm0, $0xb8;
	[tilespmem:$0x12080] =	vst v63  }
0x11e: {  	v11 =	vand.u32 $0x7, v11;
	v14 =	vshll.u32 v14, $0x5  }
0x11f: {  	v11 =	vor.u32 v11, v14;
	[tilespmem:s21], [sflag:$0x1] =	stream.indirect_vreg.gather [hbm4b:s15+s3], $0x80, v13, vm0, $0xb8;
	[tilespmem:$0x12080] =	vst v63  }
0x120: {  	v63 =	vperm.xlane v11, v8  }
0x121: {  	[tilespmem:s22], [sflag:$0x1] =	stream.indirect_vreg.gather [hbm4b:s2+s3], $0x80, v12, vm0, $0xb8;
	[tilespmem:$0x12080] =	vst v63  }
0x122: {  	v13 =	vadd.s32 v9, v63  }
0x123: {  	[tilespmem:s23], [sflag:$0x1] =	stream.indirect_vreg.gather [hbm4b:s15+s3], $0x80, v12, vm0, $0xb8;
	[tilespmem:$0x12080] =	vst v63  }
0x124: {  	v11 =	vperm.xlane v11, v10;
	_ =	swait.ge [sflag:s18], $0x2000  }
0x125: {  	[sflag:s18] =	ssyncset.done $0x0  }
0x126: {  	v11 =	vadd.s32 v9, v11;
	[sflag:s18] =	ssyncadd.s32 $0xFFFFE000  }
0x127: {  	[hbm4b:s4+s3] =	stream.indirect_vreg.scatter [tilespmem:s20], [sflag:$0x1], $0x80, v13, vm0, $0xb8;
	[tilespmem:$0x12080] =	vst v63  }
0x128: {  	_ = 	snop  }
0x129: {  	[hbm4b:s16+s3] =	stream.indirect_vreg.scatter [tilespmem:s21], [sflag:$0x1], $0x80, v13, vm0, $0xb8;
	[tilespmem:$0x12080] =	vst v63  }
0x12a: {  	p0 =	sne.s32 s17, $0x1  }
0x12b: {  	[hbm4b:s4+s3] =	stream.indirect_vreg.scatter [tilespmem:s22], [sflag:$0x1], $0x80, v11, vm0, $0xb8;
	[tilespmem:$0x12080] =	vst v63  }
.Ltmp0:
0x12c: {  	_ = 	snop;
	(pc) =	sbr.rel @p0 .LBB2_1-.Ltmp0, $4  }
0x12d: {  	[hbm4b:s16+s3] =	stream.indirect_vreg.scatter [tilespmem:s23], [sflag:$0x1], $0x80, v11, vm0, $0xb8;
	[tilespmem:$0x12080] =	vst v63  }
0x12e: {  	_ =	swait.ge [sflag:s18], $0x2000  }
0x12f: {  	[sflag:s18] =	ssyncset.done $0x0  }
0x130: {  	s17 =	sadd.s32 $0xFFFFFFFF, s17;
	[sflag:s18] =	ssyncadd.s32 $0xFFFFE000  }
0x131: {  	_ =	sfence.sel $0x180000  }
0x132: {  	[bflag:$0x0] =	sbarrier.arrive $0xFFFF  }
0x133: {  	p0 =	sne.s32 s0, $0x0;
	_ =	strace $0x90000047  }
0x134: {  	s0 =	sadd.s32 @!p0 $0x100000, s1;
	[bflag:$0x2] =	sbarrier.arrive $0xFFFF  }
0x135: {  	[sflag:s0] =	ssyncadd.tile.s32 @!p0 $0x1;
	_ =	shalt  }
.Lfunc_end2:
_tile_overlayer_lowered:
.L_overlay_start_2:
0x136: {  	(tag) =	ssettag $0x2  }
0x137: {  	s0 =	rddreg [dreg:$0x0];
	s2 =	stileid.u32  }
0x138: {  	s1 =	rddreg [dreg:$0x1];
	p0 =	sne.s32 s2, $0x0  }
0x139: {  	s3 =	rddreg [dreg:$0x2];
	[bflag:$0x3] =	sbarrier.arrive $0xFFFF;
	s2 =	simm.s32 @!p0 $0x1C01  }
0x13a: {  	[timem:s3], [sflag:s2] =	dma.local @!p0 [hbm:s0], s1  }
0x13b: {  	s0 =	simm.s32 @!p0 $0x1  }
0x13c: {  	_ =	swait.ge @!p0 [sflag:s0], s1  }
0x13d: {  	s1 =	ssub.s32 @!p0 $0x0, s1;
	[sflag:s0] =	ssyncset.done @!p0 $0x0  }
0x13e: {  	[sflag:s0] =	ssyncadd.s32 @!p0 s1  }
0x13f: {  	[bflag:$0x3] =	sbarrier.arrive $0xFFFF  }
0x140: {  	_ =	shalt  }

// kernel: sparse-core-data-format-call.cloned.1.call-start
scs
called_computation_lowered:
.L_overlay_start_0:
0x0: {  	s2 =	sld [smem:$0x3FD9]  }
0x1: {  	s3 =	sld [smem:$0x3FFE];
	_ =	sdelay $0x1  }
0x2: {  	s1 =	srdreg.scid  }
0x3: {  	s0 =	sand.u32 $0x1, s1  }
0x4: {  	s16 =	sshll.u32 s0, $0xA;
	s2 =	sadd.s32 s3, s2  }
0x5: {  	s2 =	sadd.s32 s2, s16  }
0x6: {  	[smem:$0x3FC6] =	sst s2  }
0x7: {  	_ = 	snop  }
0x8: {  	s2 =	sld [smem:$0x3FD0];
	_ =	sdelay $0x2  }
0x9: {  	s17 =	simm.s32 $0xB;
	s4 =	simm.s32 $0x10  }
0xa: {  	[smem:s4], [sflag:s17] =	dma.local [hbm:s2], $0x1  }
0xb: {  	_ =	swait.eq [sflag:s17], $0x1  }
0xc: {  	[sflag:s17] =	ssyncset.done $0x0  }
0xd: {  	[sflag:s17] =	ssyncadd.s32 $0xFFFFFFFF  }
0xe: {  	s18 =	sld [smem:$0x11];
	(tm) =	ssettm $0x1  }
0xf: {  	s19 =	sld [smem:$0x3FFB];
	_ =	sdelay $0x3  }
0x10: {  	_ =	strace s19  }
0x11: {  	s2 =	sld [smem:$0x3FFC];
	_ =	sdelay $0x3  }
0x12: {  	_ =	strace s2  }
0x13: {  	s2 =	sld [smem:$0x3FFD];
	_ =	sdelay $0x3  }
0x14: {  	_ =	strace s2  }
0x15: {  	_ =	strace $0x8FFFFFFF  }
0x16: {  	s20 =	sld [smem:$0x3FDB];
	_ =	sdelay $0x1  }
0x17: {  	s21 =	simm.s32 $_scs_section_size  }
0x18: {  	s5 =	simm.s32 $_size__tile_overlayer_lowered;
	s6 =	simm.s32 $_tile_overlayer_lowered  }
0x19: {  	s7 =	simm.s32 $0x1BFF;
	s22 =	sshll.u32 s6, $0x1;
	s4 =	sadd.s32 s21, s20  }
0x1a: {  	s23 =	simm.s32 $0x0;
	s5 =	sshll.u32 s5, $0x1;
	s6 =	sadd.s32 s22, s4  }
0x1b: {  	[timem:s23], [sflag:s7] =	dma.local [hbm:s6], s5  }
0x1c: {  	_ =	swait.ge [sflag:s7], s5  }
0x1d: {  	s5 =	ssub.s32 $0x0, s5;
	[sflag:s7] =	ssyncset.done $0x0  }
0x1e: {  	[sflag:s7] =	ssyncadd.s32 s5;
	_ =	sdelay $0x1  }
0x1f: {  	s24 =	simm.s32 $0x1B8B  }
0x20: {  	_ =	swait.ge [sflag:s24], $0x1  }
0x21: {  	[sflag:s24] =	ssyncset.done $0x0  }
0x22: {  	[sflag:s24] =	ssyncadd.s32 $0xFFFFFFFF  }
0x23: {  	s5 =	sld [smem:$0x0]  }
0x24: {  	s6 =	sand.u32 $0xFFFFFFFE, s1  }
0x25: {  	p0 =	sne.s32 s1, s6  }
0x26: {  	s6 =	sshll.u32 @p0 s6, $0xE  }
0x27: {  	s6 =	sadd.s32 @p0 $0x11B8D, s6;
	s7 =	sshll.u32 @p0 s5, $0x11  }
0x28: {  	s6 =	sor.u32 @p0 s7, s6  }
0x29: {  	[sflag:s6] =	ssyncadd.remote.s32 @p0 $0x1;
	_ =	sdelay $0x1  }
0x2a: {  	s6 =	simm.s32 @p0 $0x1B8D  }
0x2b: {  	_ =	swait.eq @p0 [sflag:s6], $0x1  }
0x2c: {  	[sflag:s6] =	ssyncadd.s32 @p0 $0xFFFFFFFF  }
0x2d: {  	s7 =	sshll.u32 @!p0 s1, $0xE  }
0x2e: {  	s7 =	sor.u32 @!p0 $0x4000, s7;
	s6 =	simm.s32 @!p0 $0x1B8D  }
0x2f: {  	s5 =	sshll.u32 @!p0 s5, $0x11;
	s7 =	sadd.s32 @!p0 $0x11B8D, s7;
	_ =	swait.eq @!p0 [sflag:s6], $0x1  }
0x30: {  	s5 =	sor.u32 @!p0 s5, s7;
	[sflag:s6] =	ssyncadd.s32 @!p0 $0xFFFFFFFF  }
0x31: {  	s26 =	simm.s32 $0x1B8E;
	s25 =	sld [smem:$0x3FFE];
	[sflag:s5] =	ssyncadd.remote.s32 @!p0 $0x1  }
0x32: {  	s27 =	simm.s32 $execute0_lowered;
	[smem:$0x3FD2] =	sst s26  }
0x33: {  	s6 =	sshll.u32 s27, $0x1;
	_ =	strace $0x80000049;
	[dreg:$0x1] =	wrdreg $0xFFFFFFFF  }
0x34: {  	s28 =	simm.s32 $_size_execute0_lowered;
	s4 =	sadd.s32 s4, s6;
	[dreg:$0x0] =	wrdreg $0x0  }
0x35: {  	s6 =	sshll.u32 s28, $0x1;
	[dreg:$0x2] =	wrdreg s4  }
0x36: {  	[dreg:$0x3] =	wrdreg s6  }
0x37: {  	[dreg:$0x4] =	wrdreg $0xC0  }
0x38: {  	_ =	task [dreg:s23], $0x5FFFF  }
0x39: {  	[dreg:$0x1] =	wrdreg $0xFFFFFFFF  }
0x3a: {  	[dreg:$0x0] =	wrdreg $0x60  }
0x3b: {  	[dreg:$0x2] =	wrdreg s25  }
0x3c: {  	[dreg:$0x3] =	wrdreg s18  }
0x3d: {  	[dreg:$0x4] =	wrdreg $0x9  }
0x3e: {  	_ =	task.clear_ibuf [dreg:s23], $0x5FFFF;
	_ =	strace $0x90000049  }
0x3f: {  	s29 =	simm.s32 $0x9;
	_ =	strace $0x8000004B  }
0x40: {  	_ =	swait.ge [sflag:s29], $0x1  }
0x41: {  	[sflag:s29] =	ssyncadd.s32 $0xFFFFFFFF  }
0x42: {  	_ =	strace $0x9000004B  }
0x43: {  	_ =	sfence  }
0x44: {  	s30 =	sld [smem:$0x0];
	_ =	sdelay $0x2  }
0x45: {  	s31 =	sshll.u32 s1, $0xD;
	s1 =	sshrl.u32 s1, $0x2  }
0x46: {  	s4 =	sand.u32 $0x4000, s31;
	s1 =	sadd.s32 s1, s30  }
0x47: {  	s0 =	sor.u32 s4, s0;
	s1 =	sshll.u32 s1, $0x11  }
0x48: {  	s0 =	sor.u32 s1, s0  }
0x49: {  	s0 =	sadd.s32 $0x8F2B, s0  }
0x4a: {  	[sflag:s0] =	ssyncadd.remote.s32 $0x1  }
0x4b: {  	_ =	sfence.sel $0xFFFF  }
0x4c: {  	[dreg:$0x0] =	wrdreg $0xFFFFFFFF;
	(pc) =	sbr.abs _section_cstart, $3  }
0x4d: {  	[dreg:$0x1] =	wrdreg $0xFFFFFFFF  }
0x4e: {  	_ =	task.clear_ibuf [dreg:s23], $0x2FFFF;
	_ =	strace $0x9FFFFFFF  }
0x4f: {  	(tm) =	ssettm $0x7FFFFFFF  }
tec
execute0_lowered:
.L_overlay_start_1:
0x0: {  	(tag) =	ssettag $0x1  }
0x1: {  	s1 =	rddreg [dreg:$0x0]  }
0x2: {  	s2 =	rddreg [dreg:$0x1]  }
0x3: {  	s0 =	rddreg [dreg:$0x2];
	_ =	strace $0x8000004A;
	s4 =	srdreg.scid  }
0x4: {  	s6 =	simm.s32 $0x2;
	s12 =	simm.s32 $0x0;
	p0 =	por $0x0, $0x0  }
0x5: {  	s13 =	simm.s32 $0x0;
	s15 =	simm.s32 $0x0;
	s14 =	simm.s32 $0x0  }
.Ltmp0:
0x6: {  	s8 =	simm.s32 $0x0;
	s9 =	simm.s32 $0x0;
	(pc) =	sbr.rel .LBB1_1-.Ltmp0, $4  }
0x7: {  	s10 =	simm.s32 $0x0;
	s3 =	sadd.s32 $0x203600, s1;
	s5 =	sshll.u32 s4, $0x4  }
0x8: {  	s1 =	stileid.u32;
	s4 =	simm.s32 $0x1;
	s5 =	sand.u32 $0x10, s5  }
0x9: {  	s7 =	simm.s32 $0x0;
	[sflag:s4] =	ssyncpa.u1 $0x0;
	s5 =	sor.u32 s1, s5  }
0xa: {  	[sflag:s6] =	ssyncpa.u1 $0x0;
	s6 =	simm.s32 $0x1000;
	s11 =	smov.u32 s5  }
.LBB1_7:
0xb: {  	s16 =	sadd.s32 $0x100, s8  }
0xc: {  	s12 =	sadd.s32 $0x8, s9;
	s17 =	smov.u32 s9;
	p2 =	sgt.s32 s16, $0x1FF  }
0xd: {  	s17 =	smov.u32 @p2 s12  }
0xe: {  	s18 =	smov.u32 s10;
	s12 =	sadd.s32 $0x8, s10;
	p3 =	sgt.s32 s17, $0x7  }
0xf: {  	s18 =	smov.u32 @p3 s12  }
0x10: {  	s19 =	smov.u32 s11;
	s12 =	sadd.s32 $0x20, s11;
	p4 =	sgt.s32 s18, $0x7  }
0x11: {  	p1 =	slt.u32 s7, $0x2;
	s19 =	smov.u32 @p4 s12  }
0x12: {  	s7 =	sadd.s32 $0x1, s7;
	s16 =	simm.s32 @p2 $0x0;
	p2 =	sgt.s32 s19, $0x1FF  }
0x13: {  	s20 =	simm.s32 @!p1 $0x2;
	s19 =	smov.u32 @p2 s5;
	p2 =	sne.s32 s7, $0x22  }
.Ltmp1:
0x14: {  	s13 =	smov.u32 s9;
	_ =	swait.ge @!p1 [sflag:s20], $0x4000;
	(pc) =	sbr.rel @!p2 .LBB1_8-.Ltmp1, $4  }
0x15: {  	s15 =	smov.u32 s10;
	s14 =	smov.u32 s11;
	[sflag:s20] =	ssyncset.done @!p1 $0x0  }
0x16: {  	p0 =	por !p0, !p0;
	s17 =	simm.s32 @p3 $0x0;
	[sflag:s20] =	ssyncadd.s32 @!p1 $0xFFFFC000  }
0x17: {  	s9 =	smov.u32 s17;
	s18 =	simm.s32 @p4 $0x0;
	s12 =	smov.u32 s8  }
0x18: {  	s8 =	smov.u32 s16;
	s10 =	smov.u32 s18;
	s11 =	smov.u32 s19  }
.LBB1_1:
0x19: {  	p1 =	sgt.u32 s7, $0x1F  }
0x1a: {  	s16 =	sxor.u32 @!p1 $0xFFFFFFFF, s7;
	s17 =	sshll.u32 @!p1 s8, $0x3  }
0x1b: {  	s18 =	sshll.u32 @!p1 s9, $0x7;
	s19 =	sand.u32 @!p1 $0x78, s8;
	s20 =	sshll.u32 @!p1 s11, $0xC  }
0x1c: {  	s21 =	sshll.u32 @!p1 s10, $0x9;
	s16 =	sshll.u32 @!p1 s16, $0xE;
	s18 =	sand.u32 @!p1 $0x380, s18  }
0x1d: {  	s17 =	sand.u32 @!p1 $0xC00, s17;
	s16 =	sand.u32 @!p1 $0x4000, s16;
	s18 =	sor.u32 @!p1 s19, s18  }
0x1e: {  	s19 =	sand.u32 @!p1 $0x7, s8;
	s17 =	sor.u32 @!p1 s17, s18;
	s18 =	sadd.s32 @!p1 s3, s20  }
0x1f: {  	s19 =	sshll.u32 @!p1 s19, $0x12;
	s17 =	sshrl.u32 @!p1 s17, $0x3;
	s18 =	sadd.s32 @!p1 s21, s18  }
0x20: {  	s17 =	sadd.s32 @!p1 s17, s18;
	s18 =	sor.u32 @!p1 $0x800, s19;
	s19 =	simm.s32 @!p1 $0x1000  }
0x21: {  	[tilespmem:s16], [sflag:$0x1] =	stream.strided.gather @!p1 [hbm4b:s17+s18], $0x4000, s19, s18, $0x38;
	[tilespmem:$0x10000] =	vst v63  }
0x22: {  	p1 =	seq.s32 s7, $0x0  }
0x23: {  	p2 =	seq.s32 @!p1 s7, $0x21  }
0x24: {  	p1 =	por p1, p2  }
.Ltmp2:
0x25: {  	_ = 	snop;
	(pc) =	sbr.rel @p1 .LBB1_7-.Ltmp2, $1  }
0x26: {  	_ =	sdelay $0x3  }
0x27: {  	s16 =	simm.s32 $0x1;
	_ =	swait.ge [sflag:s4], $0x4000  }
0x28: {  	s31 =	sshll.u32 s7, $0xE;
	s21 =	simm.s32 $0x0;
	p1 =	por $0x0, $0x0  }
0x29: {  	s22 =	simm.s32 $0x0;
	s23 =	simm.s32 $0x0;
	s16 =	simm.s32 @!p0 $0x0  }
0x2a: {  	[sflag:s4] =	ssyncset.done $0x0;
	s19 =	sand.u32 $0x4000, s31;
	s16 =	sshll.u32 s16, $0x10  }
0x2b: {  	[sflag:s4] =	ssyncadd.s32 $0xFFFFC000;
	s20 =	sshrl.u32 s16, $0x2;
	s16 =	sor.u32 $0x8000, s19  }
0x2c: {  	s17 =	sor.u32 $0x40, s20;
	s18 =	sor.u32 $0x8410, s20;
	s20 =	sadd.s32 $0x8400, s20  }
.LBB1_3:
0x2d: {  	v1 =	vld [tilespmem:s17+$0xFFFFFFD0]  }
0x2e: {  	v2 =	vld [tilespmem:s17+$0x430]  }
0x2f: {  	s24 =	sshll.u32 s23, $0xB;
	v4 =	vld [tilespmem:s17+$0xFFFFFFE0]  }
0x30: {  	v7 =	vld [tilespmem:s17+$0xFFFFFFF0];
	v0 =	vmov s24  }
0x31: {  	v8 =	vld [tilespmem:s17+$0x0]  }
0x32: {  	s30 =	sand.u32 $0x300, s21;
	v9 =	vld [tilespmem:s17+$0x10]  }
0x33: {  	s25 =	sand.u32 $0x80, s21;
	v10 =	vld [tilespmem:s17+$0x20];
	s24 =	sadd.s32 s30, s19  }
0x34: {  	v11 =	vld [tilespmem:s17+$0x30];
	s24 =	sadd.s32 s25, s24;
	s25 =	simm.s32 $0x1;
	[tilespmem:s18+$0x60] =	vst v2  }
0x35: {  	s31 =	sshll.u32 s22, $0x2;
	s25 =	simm.s32 @!p1 $0x0;
	[tilespmem:s18+$0xFFFFFC00] =	vst v1;
	v3 =	vld.idx.msk [tilespmem:v0+s24+$0x400 ss:$0x1], $0xffff  }
0x36: {  	v6 =	vld [tilespmem:s17+$0x3D0];
	s25 =	sshll.u32 s25, $0x9;
	[tilespmem:s18+$0xFFFFFC10] =	vst v4;
	s24 =	sand.u32 $0xFFFFFC00, s31  }
0x37: {  	v5 =	vld [tilespmem:s17+$0x3E0];
	[tilespmem:s18+$0xFFFFFC20] =	vst v7;
	s24 =	sor.u32 s25, s24  }
0x38: {  	[tilespmem:s18+$0xFFFFFC30] =	vst v8;
	v4 =	vld [tilespmem:s17+$0x400];
	s24 =	sshrl.u32 s24, $0x2  }
0x39: {  	[tilespmem:s18+$0xFFFFFC40] =	vst v9;
	v1 =	vld [tilespmem:s17+$0x410];
	s24 =	sadd.s32 s24, s20  }
0x3a: {  	[tilespmem:s24+$0x0] =	vst v3;
	v3 =	vld [tilespmem:s17+$0x3F0]  }
0x3b: {  	s28 =	simm.s32 $0x80;
	s27 =	simm.s32 $0x100;
	[tilespmem:s18+$0xFFFFFC50] =	vst v10;
	v2 =	vld [tilespmem:s17+$0x420]  }
0x3c: {  	s26 =	smov.u32 s18;
	s29 =	sand.u32 $0x300, s28;
	v7 =	vld [tilespmem:s17+$0xFFFFFFC0];
	[tilespmem:s18+$0xFFFFFC60] =	vst v11;
	s25 =	sadd.s32 $0x80, s17  }
.LBB1_4:
0x3d: {  	p2 =	sne.s32 s27, $0x380;
	v8 =	vld [tilespmem:s25+$0xFFFFFFD0];
	s28 =	sand.u32 $0x80, s28;
	s29 =	sadd.s32 s29, s19;
	[tilespmem:s26+$0x0] =	vst v6  }
0x3e: {  	s29 =	sadd.s32 s28, s29;
	v6 =	vld [tilespmem:s25+$0x430];
	[tilespmem:s26+$0x10] =	vst v5;
	s28 =	smov.u32 s27  }
0x3f: {  	v5 =	vld.idx.msk [tilespmem:v0+s29+$0x400 ss:$0x1], $0xffff;
	[tilespmem:s26+$0x20] =	vst v3  }
0x40: {  	v3 =	vld [tilespmem:s25+$0xFFFFFFE0];
	[tilespmem:s26+$0x30] =	vst v4  }
0x41: {  	v4 =	vld [tilespmem:s25+$0xFFFFFFF0];
	[tilespmem:s26+$0xFFFFFBF0] =	vst v7  }
0x42: {  	v7 =	vld [tilespmem:s25+$0x0];
	[tilespmem:s26+$0x40] =	vst v1  }
0x43: {  	v1 =	vld [tilespmem:s25+$0x10];
	[tilespmem:s26+$0x50] =	vst v2;
	s26 =	sadd.s32 $0x800, s26  }
0x44: {  	s24 =	sadd.s32 $0x800, s24;
	v2 =	vld [tilespmem:s25+$0x20];
	[tilespmem:s26+$0x60] =	vst v6  }
0x45: {  	v9 =	vld [tilespmem:s25+$0x30];
	[tilespmem:s24+$0x0] =	vst v5  }
0x46: {  	[tilespmem:s26+$0xFFFFFC00] =	vst v8;
	v6 =	vld [tilespmem:s25+$0x3D0]  }
0x47: {  	[tilespmem:s26+$0xFFFFFC10] =	vst v3;
	v5 =	vld [tilespmem:s25+$0x3E0]  }
.Ltmp3:
0x48: {  	[tilespmem:s26+$0xFFFFFC20] =	vst v4;
	v3 =	vld [tilespmem:s25+$0x3F0];
	(pc) =	sbr.rel @p2 .LBB1_4-.Ltmp3, $4  }
0x49: {  	[tilespmem:s26+$0xFFFFFC30] =	vst v7;
	v4 =	vld [tilespmem:s25+$0x400]  }
0x4a: {  	[tilespmem:s26+$0xFFFFFC40] =	vst v1;
	v1 =	vld [tilespmem:s25+$0x410]  }
0x4b: {  	[tilespmem:s26+$0xFFFFFC50] =	vst v2;
	v2 =	vld [tilespmem:s25+$0x420]  }
0x4c: {  	s27 =	sadd.s32 $0x80, s27;
	s29 =	sand.u32 $0x300, s28;
	v7 =	vld [tilespmem:s25+$0xFFFFFFC0];
	[tilespmem:s26+$0xFFFFFC60] =	vst v9;
	s25 =	sadd.s32 $0x80, s25  }
0x4d: {  	[tilespmem:s26+$0x0] =	vst v6  }
0x4e: {  	[tilespmem:s26+$0x10] =	vst v5  }
0x4f: {  	v49 =	vld [tilespmem:s25+$0x430];
	[tilespmem:s26+$0x20] =	vst v3  }
0x50: {  	v50 =	vld [tilespmem:s25+$0xFFFFFFD0];
	[tilespmem:s26+$0x30] =	vst v4  }
0x51: {  	v51 =	vld [tilespmem:s25+$0xFFFFFFE0];
	[tilespmem:s26+$0x40] =	vst v1  }
0x52: {  	v52 =	vld [tilespmem:s25+$0xFFFFFFF0];
	[tilespmem:s26+$0x50] =	vst v2  }
0x53: {  	s31 =	sadd.s32 $0x800, s26;
	v53 =	vld [tilespmem:s25+$0x0];
	[tilespmem:s26+$0xFFFFFBF0] =	vst v7  }
0x54: {  	v54 =	vld [tilespmem:s25+$0x10];
	[tilespmem:s31+$0x60] =	vst v49  }
0x55: {  	v55 =	vld [tilespmem:s25+$0x20];
	[tilespmem:s31+$0xFFFFFC00] =	vst v50  }
0x56: {  	v56 =	vld [tilespmem:s25+$0x30];
	[tilespmem:s31+$0xFFFFFC10] =	vst v51  }
0x57: {  	v57 =	vld [tilespmem:s25+$0x3D0];
	[tilespmem:s31+$0xFFFFFC20] =	vst v52  }
0x58: {  	v58 =	vld [tilespmem:s25+$0x3E0];
	[tilespmem:s31+$0xFFFFFC30] =	vst v53  }
0x59: {  	v59 =	vld [tilespmem:s25+$0x3F0];
	[tilespmem:s31+$0xFFFFFC40] =	vst v54  }
0x5a: {  	v60 =	vld [tilespmem:s25+$0x400];
	[tilespmem:s31+$0xFFFFFC50] =	vst v55  }
0x5b: {  	v61 =	vld [tilespmem:s25+$0xFFFFFFC0];
	[tilespmem:s31+$0xFFFFFC60] =	vst v56  }
0x5c: {  	s27 =	sand.u32 $0x80, s28;
	s30 =	sadd.s32 s29, s19;
	v62 =	vld [tilespmem:s25+$0x410];
	[tilespmem:s31+$0x0] =	vst v57  }
0x5d: {  	v63 =	vld [tilespmem:s25+$0x420];
	s23 =	sadd.s32 $0x1, s23;
	s27 =	sadd.s32 s27, s30;
	[tilespmem:s31+$0x10] =	vst v58  }
0x5e: {  	p2 =	sne.s32 s23, $0x8;
	v0 =	vld.idx.msk [tilespmem:v0+s27+$0x400 ss:$0x1], $0xffff;
	[tilespmem:s31+$0x20] =	vst v59  }
.Ltmp4:
0x5f: {  	[tilespmem:s31+$0x30] =	vst v60;
	(pc) =	sbr.rel @p2 .LBB1_3-.Ltmp4, $4  }
0x60: {  	[tilespmem:s31+$0xFFFFFBF0] =	vst v61  }
0x61: {  	[tilespmem:s31+$0x40] =	vst v62  }
0x62: {  	s24 =	sadd.s32 $0x800, s24;
	s17 =	sadd.s32 $0x800, s17;
	[tilespmem:s31+$0x50] =	vst v63  }
0x63: {  	s22 =	sadd.s32 $0x80, s22;
	p1 =	por !p1, !p1;
	s18 =	sadd.s32 $0x80, s18;
	[tilespmem:s24+$0x0] =	vst v0  }
0x64: {  	s17 =	sshll.u32 s12, $0x3;
	s15 =	sshll.u32 s15, $0x7;
	s18 =	sand.u32 $0x78, s12  }
0x65: {  	s14 =	sshll.u32 s14, $0xC;
	s13 =	sshll.u32 s13, $0x9;
	s15 =	sand.u32 $0x380, s15  }
.Ltmp5:
0x66: {  	s17 =	sand.u32 $0xC00, s17;
	s15 =	sor.u32 s18, s15;
	(pc) =	sbr.rel .LBB1_7-.Ltmp5, $4  }
0x67: {  	s31 =	sand.u32 $0x7, s12;
	s14 =	sadd.s32 s2, s14;
	s15 =	sor.u32 s17, s15  }
0x68: {  	s12 =	sshll.u32 s31, $0x12;
	s13 =	sadd.s32 s13, s14;
	s15 =	sshrl.u32 s15, $0x3  }
0x69: {  	s12 =	sor.u32 $0x800, s12;
	s13 =	sadd.s32 s15, s13  }
0x6a: {  	[hbm4b:s13+s12] =	stream.strided.scatter [tilespmem:s16], [sflag:$0x2], $0x4000, s6, s12, $0x38;
	[tilespmem:$0x10000] =	vst v63  }
.LBB1_8:
0x6b: {  	_ =	sfence.sel $0x180000  }
0x6c: {  	s2 =	simm.s32 $0x1;
	[bflag:$0x0] =	sbarrier.arrive $0xFFFF  }
0x6d: {  	s31 =	simm.s32 $0x2;
	[sflag:s2] =	ssyncpa.u1 $0x1  }
0x6e: {  	[sflag:s31] =	ssyncpa.u1 $0x1  }
0x6f: {  	p0 =	sne.s32 s1, $0x0;
	_ =	strace $0x9000004A  }
0x70: {  	s0 =	sadd.s32 @!p0 $0x100000, s0;
	[bflag:$0x2] =	sbarrier.arrive $0xFFFF  }
0x71: {  	[sflag:s0] =	ssyncadd.tile.s32 @!p0 $0x1;
	_ =	shalt  }
.Lfunc_end1:
_tile_overlayer_lowered:
.L_overlay_start_2:
0x72: {  	(tag) =	ssettag $0x2  }
0x73: {  	s0 =	rddreg [dreg:$0x0];
	s2 =	stileid.u32  }
0x74: {  	s1 =	rddreg [dreg:$0x1];
	p0 =	sne.s32 s2, $0x0  }
0x75: {  	s3 =	rddreg [dreg:$0x2];
	[bflag:$0x3] =	sbarrier.arrive $0xFFFF;
	s2 =	simm.s32 @!p0 $0x1C01  }
0x76: {  	[timem:s3], [sflag:s2] =	dma.local @!p0 [hbm:s0], s1  }
0x77: {  	s0 =	simm.s32 @!p0 $0x1  }
0x78: {  	_ =	swait.ge @!p0 [sflag:s0], s1  }
0x79: {  	s1 =	ssub.s32 @!p0 $0x0, s1;
	[sflag:s0] =	ssyncset.done @!p0 $0x0  }
0x7a: {  	[sflag:s0] =	ssyncadd.s32 @!p0 s1  }
0x7b: {  	[bflag:$0x3] =	sbarrier.arrive $0xFFFF  }
0x7c: {  	_ =	shalt  }

</sc_bundles>
